<compile_context>
chip_gen: v7x
topology: tpu7x:2x2x1
jax: 0.10.2.dev20260603
libtpu: 0.0.44.dev20260713+nightly
codegen_flags: <defaults>
</compile_context>

<pallas_src>
import functools

import jax
import jax.numpy as jnp
from jax import lax
from jax.experimental import pallas as pl
from jax.experimental.pallas import tpu as pltpu
from jax.experimental.pallas import tpu_sc as plsc

_N = 10000
_E = 320000
_DIN = 128
_DH = 64
_DW = 64
_DOUT = 128

_NC = 2
_NS = 16
_NW = _NC * _NS
_CHUNK = 128
_NCH = 80
_NROW = _NW * _NCH
_NCH0 = 148
_NCH1 = 12
_NBUF = 2
_SPLIT = _NS * _NCH0
_NROWP = _NROW + (_NCH0 - _NCH1)
_EP = _NROWP * _CHUNK
_NP = 10240
_RPT = _NP // _NS

_mesh = plsc.VectorSubcoreMesh(core_axis_name="c", subcore_axis_name="s")



@functools.partial(
    pl.kernel,
    out_type=jax.ShapeDtypeStruct((_NC, _NP), jnp.float32),
    mesh=_mesh,
    scratch_types=[
        pltpu.VMEM((_NCH, _CHUNK), jnp.int32),
        pltpu.VMEM((_CHUNK,), jnp.float32),
        pltpu.VMEM_SHARED((_NP,), jnp.float32),
    ],
)
def _deg_kernel(col_hbm, zeros1_hbm, out_hbm, colbuf, ones_v, acc):
    c = lax.axis_index("c")
    s = lax.axis_index("s")
    w = s * _NC + c
    r0 = s * _RPT
    pltpu.sync_copy(zeros1_hbm, acc.at[pl.ds(r0, _RPT)])
    for q in range(_CHUNK // 16):
        ones_v[pl.ds(q * 16, 16)] = jnp.ones((16,), jnp.float32)
    pltpu.sync_copy(col_hbm.at[pl.ds(w * _NCH, _NCH)], colbuf)
    plsc.subcore_barrier()

    def body(j, carry):
        pltpu.sync_copy(ones_v, acc.at[colbuf.at[j]], add=True)
        return carry

    lax.fori_loop(0, _NCH, body, 0)
    plsc.subcore_barrier()
    pltpu.sync_copy(acc.at[pl.ds(r0, _RPT)], out_hbm.at[c, pl.ds(r0, _RPT)])


@functools.partial(
    pl.kernel,
    out_type=jax.ShapeDtypeStruct((_NC, _NP, _DH), jnp.float32),
    mesh=_mesh,
    scratch_types=[
        pltpu.VMEM((_NCH0, _CHUNK), jnp.int32),
        pltpu.VMEM((_NCH0, _CHUNK), jnp.int32),
        pltpu.VMEM((_NCH0, _CHUNK), jnp.int32),
    ] + [pltpu.VMEM((_CHUNK, _DW), jnp.float32)] * _NBUF
      + [pltpu.VMEM_SHARED((_NP, _DH), jnp.float32)]
      + [pltpu.SemaphoreType.DMA] * (2 * _NBUF),
    compiler_params=pltpu.CompilerParams(use_tc_tiling_on_sc=False),
)
def _prop_kernel(g_hbm, pidx_hbm, zeros2_hbm, out_hbm,
                 pbuf, rowbuf, colbuf, *rest):
    bufs = rest[:_NBUF]
    acc = rest[_NBUF]
    gsem = rest[_NBUF + 1:2 * _NBUF + 1]
    ssem = rest[2 * _NBUF + 1:]
    c = lax.axis_index("c")
    s = lax.axis_index("s")
    r0 = s * _RPT
    base = jnp.where(c == 0, s * _NCH0, _SPLIT + s * _NCH1)
    ngrp = jnp.where(c == 0, _NCH0 // _NBUF, _NCH1 // _NBUF)
    pltpu.sync_copy(zeros2_hbm, acc.at[pl.ds(r0, _RPT)])
    pltpu.sync_copy(pidx_hbm.at[pl.ds(base, _NCH0)], pbuf)

    def unpack(r, carry):
        for q in range(_CHUNK // 16):
            v = pbuf[r, pl.ds(16 * q, 16)]
            rowbuf[r, pl.ds(16 * q, 16)] = v & 0xFFFF
            colbuf[r, pl.ds(16 * q, 16)] = lax.shift_right_logical(v, 16)
        return carry

    lax.fori_loop(0, _NCH0, unpack, 0)
    plsc.subcore_barrier()

    @pl.when(ngrp > 0)
    def _():
        for b in range(_NBUF):
            pltpu.async_copy(g_hbm.at[rowbuf.at[b]], bufs[b], gsem[b])

    def body(jj, carry):
        j = _NBUF * jj
        for b in range(_NBUF):
            pltpu.make_async_copy(g_hbm.at[rowbuf.at[j + b]],
                                  bufs[b], gsem[b]).wait()
            pltpu.async_copy(bufs[b], acc.at[colbuf.at[j + b]],
                             ssem[b], add=True)
        for b in range(_NBUF):
            pltpu.make_async_copy(bufs[b], acc.at[colbuf.at[j + b]],
                                  ssem[b]).wait()

            @pl.when(jj < ngrp - 1)
            def _(b=b):
                pltpu.async_copy(g_hbm.at[rowbuf.at[j + _NBUF + b]],
                                 bufs[b], gsem[b])

        return carry

    lax.fori_loop(0, ngrp, body, 0)
    plsc.subcore_barrier()
    pltpu.sync_copy(acc.at[pl.ds(r0, _RPT)],
                    out_hbm.at[c, pl.ds(r0, _RPT)])



_BN = 1024


def _dinv_col(degt_ref):
    deg = degt_ref[:, 0:1] + degt_ref[:, 1:2]
    return jnp.where(deg > 0, lax.rsqrt(deg), 0.0)


def _l1_body(x_ref, w1_ref, degt_ref, g1_ref):
    dinv = _dinv_col(degt_ref)
    g1_ref[...] = jnp.dot(x_ref[...], w1_ref[...],
                          preferred_element_type=jnp.float32) * dinv


_l1 = pl.pallas_call(
    _l1_body,
    out_shape=jax.ShapeDtypeStruct((_NP, _DW), jnp.float32),
    grid=(_NP // _BN,),
    in_specs=[
        pl.BlockSpec((_BN, _DIN), lambda i: (i, 0)),
        pl.BlockSpec((_DIN, _DH), lambda i: (0, 0)),
        pl.BlockSpec((_BN, 2), lambda i: (i, 0)),
    ],
    out_specs=pl.BlockSpec((_BN, _DW), lambda i: (i, 0)),
)


def _mid_body(acc_ref, degt_ref, b1_ref, g2_ref):
    dinv = _dinv_col(degt_ref)
    a = acc_ref[0] + acc_ref[1]
    h = jnp.maximum(a * dinv + b1_ref[...], 0.0)
    g2_ref[...] = h * dinv


_mid = pl.pallas_call(
    _mid_body,
    out_shape=jax.ShapeDtypeStruct((_NP, _DW), jnp.float32),
    grid=(_NP // _BN,),
    in_specs=[
        pl.BlockSpec((_NC, _BN, _DH), lambda i: (0, i, 0)),
        pl.BlockSpec((_BN, 2), lambda i: (i, 0)),
        pl.BlockSpec((1, _DH), lambda i: (0, 0)),
    ],
    out_specs=pl.BlockSpec((_BN, _DW), lambda i: (i, 0)),
)


def _out_body(acc_ref, degt_ref, w2_ref, b2_ref, y_ref):
    dinv = _dinv_col(degt_ref)
    t = (acc_ref[0] + acc_ref[1]) * dinv
    z = jnp.dot(t, w2_ref[...], preferred_element_type=jnp.float32) + b2_ref[...]
    m = jnp.max(z, axis=1, keepdims=True)
    lse = m + jnp.log(jnp.sum(jnp.exp(z - m), axis=1, keepdims=True))
    y_ref[...] = z - lse


_out = pl.pallas_call(
    _out_body,
    out_shape=jax.ShapeDtypeStruct((_NP, _DOUT), jnp.float32),
    grid=(_NP // _BN,),
    in_specs=[
        pl.BlockSpec((_NC, _BN, _DH), lambda i: (0, i, 0)),
        pl.BlockSpec((_BN, 2), lambda i: (i, 0)),
        pl.BlockSpec((_DH, _DOUT), lambda i: (0, 0)),
        pl.BlockSpec((1, _DOUT), lambda i: (0, 0)),
    ],
    out_specs=pl.BlockSpec((_BN, _DOUT), lambda i: (i, 0)),
)



def kernel(x, edge_index, W1, b1, W2, b2):
    pad = _EP - _E
    padv = jnp.full((pad,), _N, jnp.int32)
    rowp = jnp.concatenate([edge_index[0], padv]).reshape(_NROWP, _CHUNK)
    colp = jnp.concatenate([edge_index[1], padv]).reshape(_NROWP, _CHUNK)
    zeros1 = jnp.zeros((_RPT,), jnp.float32)
    zeros2 = jnp.zeros((_RPT, _DH), jnp.float32)
    xp = jnp.pad(x, ((0, _NP - _N), (0, 0)))

    degp = _deg_kernel(colp, zeros1)
    degt = degp.T
    g1 = _l1(xp, W1, degt)
    pidx = rowp | (colp << 16)
    acc1 = _prop_kernel(g1, pidx, zeros2)
    g2 = _mid(acc1, degt, b1.reshape(1, _DH))
    acc2 = _prop_kernel(g2, pidx, zeros2)
    y = _out(acc2, degt, W2, b2.reshape(1, _DOUT))
    return y[:_N]

# --- scband reference (transcript-rebuilt; emitter-appended) ---
"""Pipeline reference for scband-gcnmodel-4947802325326 (READ-ONLY COPY).

The authoritative reference and input builder live on the scoring server;
editing this copy changes nothing except your own understanding.
"""

import jax, jax.numpy as jnp
import numpy as np

N = 10000
E = 320000
D_IN = 128
D_H = 64
D_OUT = 128


def setup_inputs(seed: int = 0) -> dict:
    key = jax.random.key(seed)
    ks = jax.random.split(key, 6)
    x = jax.random.normal(ks[0], (N, D_IN), dtype=jnp.float32)
    edge_index = jax.random.randint(ks[1], (2, E), 0, N, dtype=jnp.int32)
    W1 = jax.random.normal(ks[2], (D_IN, D_H), dtype=jnp.float32) * (1.0 / np.sqrt(D_IN))
    b1 = jnp.zeros((D_H,), dtype=jnp.float32)
    W2 = jax.random.normal(ks[3], (D_H, D_OUT), dtype=jnp.float32) * (1.0 / np.sqrt(D_H))
    b2 = jnp.zeros((D_OUT,), dtype=jnp.float32)
    return {"x": x, "edge_index": edge_index, "W1": W1, "b1": b1, "W2": W2, "b2": b2}


def _gcn_conv(x, edge_index, W, b):
    # PyG GCNConv with add_self_loops=False, edge_weight = ones.
    row = edge_index[0]
    col = edge_index[1]
    h = x @ W
    deg = jnp.zeros((N,), dtype=h.dtype).at[col].add(1.0)
    deg_safe = jnp.where(deg > 0, deg, 1.0)
    dinv = jnp.where(deg > 0, deg_safe ** -0.5, 0.0)
    norm = dinv[row] * dinv[col]
    msg = h[row] * norm[:, None]
    out = jnp.zeros((N, h.shape[1]), dtype=h.dtype).at[col].add(msg)
    return out + b


def reference(x, edge_index, W1, b1, W2, b2):
    h = _gcn_conv(x, edge_index, W1, b1)
    h = jax.nn.relu(h)
    h = _gcn_conv(h, edge_index, W2, b2)
    return jax.nn.log_softmax(h, axis=1)

if __name__ == "__main__":
    import jax
    _d = setup_inputs()
    print(jax.jit(kernel)(*tuple(_d.values())))

</pallas_src>

<mosaic_0001>
#map = affine_map<(d0, d1) -> (0, 0)>
#map1 = affine_map<(d0, d1) -> (0)>
module attributes {stable_mosaic.version = 14 : i64} {
  func.func @_deg_kernel(%arg0: i32, %arg1: i32, %arg2: memref<2696x128xi32, #tpu.memory_space<hbm>>, %arg3: memref<640xf32, #tpu.memory_space<hbm>>, %arg4: memref<2x10240xf32, #tpu.memory_space<hbm>>, %arg5: memref<80x128xi32, #tpu.memory_space<vmem>>, %arg6: memref<128xf32, #tpu.memory_space<vmem>>, %arg7: memref<10240xf32, #tpu.memory_space<vmem_shared>>) attributes {dimension_semantics = [#tpu.dimension_semantics<core_parallel>, #tpu.dimension_semantics<subcore_parallel>], iteration_bounds = array<i64: 2, 16>, scalar_prefetch = 0 : i64, scratch_operands = 3 : i64, tpu.core_type = #tpu.core_type<sc_vector_subcore>, window_params = [{transform_indices = #map}, {transform_indices = #map1}, {transform_indices = #map}]} {
    %mul3A = arith.constant 2 : i32
    %mul3A_0 = arith.muli %arg1, %mul3A : i32
    %add3A = arith.addi %mul3A_0, %arg0 : i32
    %mul3A_1 = arith.constant 640 : i32
    %mul3A_2 = arith.muli %arg1, %mul3A_1 : i32
    "tpu.region"() ({
      %run_scoped3A = tpu.sem_alloc : memref<!tpu.dma_semaphore, #tpu.memory_space<semaphore_mem>>
      %dma_start3A = tpu.memref_slice %arg7[%mul3A_2] : memref<10240xf32, #tpu.memory_space<vmem_shared>> -> memref<640xf32, #tpu.memory_space<vmem_shared>>
      tpu.enqueue_dma source(%arg3 : memref<640xf32, #tpu.memory_space<hbm>>) target(%dma_start3A : memref<640xf32, #tpu.memory_space<vmem_shared>>) target_semaphore(%run_scoped3A : memref<!tpu.dma_semaphore, #tpu.memory_space<semaphore_mem>>)
      %dma_wait3A = tpu.memref_slice %arg7[%mul3A_2] : memref<10240xf32, #tpu.memory_space<vmem_shared>> -> memref<640xf32, #tpu.memory_space<vmem_shared>>
      tpu.wait_dma2 semaphore(%run_scoped3A : memref<!tpu.dma_semaphore, #tpu.memory_space<semaphore_mem>>) src(%arg3 : memref<640xf32, #tpu.memory_space<hbm>>) dst(%dma_wait3A : memref<640xf32, #tpu.memory_space<vmem_shared>>)
      tpu.yield
    }) : () -> ()
    %broadcast_in_dim3A = arith.constant 1.000000e+00 : f32
    %broadcast_in_dim3A_3 = vector.broadcast %broadcast_in_dim3A : f32 to vector<16xf32>
    %swap3A = arith.constant 0 : index
    %swap3A_4 = tpu.vector_load %arg6[%swap3A] {strides = array<i32>} : memref<128xf32, #tpu.memory_space<vmem>>, vector<16xf32>,
    %swap3A_5 = vector.shape_cast %swap3A_4 : vector<16xf32> to vector<16xf32>
    %swap3A_6 = vector.shape_cast %broadcast_in_dim3A_3 : vector<16xf32> to vector<16xf32>
    tpu.vector_store %arg6[%swap3A], %swap3A_6 {strides = array<i32>} : memref<128xf32, #tpu.memory_space<vmem>>, vector<16xf32>,
    %broadcast_in_dim3A_7 = arith.constant 1.000000e+00 : f32
    %broadcast_in_dim3A_8 = vector.broadcast %broadcast_in_dim3A_7 : f32 to vector<16xf32>
    %swap3A_9 = arith.constant 16 : index
    %swap3A_10 = tpu.vector_load %arg6[%swap3A_9] {strides = array<i32>} : memref<128xf32, #tpu.memory_space<vmem>>, vector<16xf32>,
    %swap3A_11 = vector.shape_cast %swap3A_10 : vector<16xf32> to vector<16xf32>
    %swap3A_12 = vector.shape_cast %broadcast_in_dim3A_8 : vector<16xf32> to vector<16xf32>
    tpu.vector_store %arg6[%swap3A_9], %swap3A_12 {strides = array<i32>} : memref<128xf32, #tpu.memory_space<vmem>>, vector<16xf32>,
    %broadcast_in_dim3A_13 = arith.constant 1.000000e+00 : f32
    %broadcast_in_dim3A_14 = vector.broadcast %broadcast_in_dim3A_13 : f32 to vector<16xf32>
    %swap3A_15 = arith.constant 32 : index
    %swap3A_16 = tpu.vector_load %arg6[%swap3A_15] {strides = array<i32>} : memref<128xf32, #tpu.memory_space<vmem>>, vector<16xf32>,
    %swap3A_17 = vector.shape_cast %swap3A_16 : vector<16xf32> to vector<16xf32>
    %swap3A_18 = vector.shape_cast %broadcast_in_dim3A_14 : vector<16xf32> to vector<16xf32>
    tpu.vector_store %arg6[%swap3A_15], %swap3A_18 {strides = array<i32>} : memref<128xf32, #tpu.memory_space<vmem>>, vector<16xf32>,
    %broadcast_in_dim3A_19 = arith.constant 1.000000e+00 : f32
    %broadcast_in_dim3A_20 = vector.broadcast %broadcast_in_dim3A_19 : f32 to vector<16xf32>
    %swap3A_21 = arith.constant 48 : index
    %swap3A_22 = tpu.vector_load %arg6[%swap3A_21] {strides = array<i32>} : memref<128xf32, #tpu.memory_space<vmem>>, vector<16xf32>,
    %swap3A_23 = vector.shape_cast %swap3A_22 : vector<16xf32> to vector<16xf32>
    %swap3A_24 = vector.shape_cast %broadcast_in_dim3A_20 : vector<16xf32> to vector<16xf32>
    tpu.vector_store %arg6[%swap3A_21], %swap3A_24 {strides = array<i32>} : memref<128xf32, #tpu.memory_space<vmem>>, vector<16xf32>,
    %broadcast_in_dim3A_25 = arith.constant 1.000000e+00 : f32
    %broadcast_in_dim3A_26 = vector.broadcast %broadcast_in_dim3A_25 : f32 to vector<16xf32>
    %swap3A_27 = arith.constant 64 : index
    %swap3A_28 = tpu.vector_load %arg6[%swap3A_27] {strides = array<i32>} : memref<128xf32, #tpu.memory_space<vmem>>, vector<16xf32>,
    %swap3A_29 = vector.shape_cast %swap3A_28 : vector<16xf32> to vector<16xf32>
    %swap3A_30 = vector.shape_cast %broadcast_in_dim3A_26 : vector<16xf32> to vector<16xf32>
    tpu.vector_store %arg6[%swap3A_27], %swap3A_30 {strides = array<i32>} : memref<128xf32, #tpu.memory_space<vmem>>, vector<16xf32>,
    %broadcast_in_dim3A_31 = arith.constant 1.000000e+00 : f32
    %broadcast_in_dim3A_32 = vector.broadcast %broadcast_in_dim3A_31 : f32 to vector<16xf32>
    %swap3A_33 = arith.constant 80 : index
    %swap3A_34 = tpu.vector_load %arg6[%swap3A_33] {strides = array<i32>} : memref<128xf32, #tpu.memory_space<vmem>>, vector<16xf32>,
    %swap3A_35 = vector.shape_cast %swap3A_34 : vector<16xf32> to vector<16xf32>
    %swap3A_36 = vector.shape_cast %broadcast_in_dim3A_32 : vector<16xf32> to vector<16xf32>
    tpu.vector_store %arg6[%swap3A_33], %swap3A_36 {strides = array<i32>} : memref<128xf32, #tpu.memory_space<vmem>>, vector<16xf32>,
    %broadcast_in_dim3A_37 = arith.constant 1.000000e+00 : f32
    %broadcast_in_dim3A_38 = vector.broadcast %broadcast_in_dim3A_37 : f32 to vector<16xf32>
    %swap3A_39 = arith.constant 96 : index
    %swap3A_40 = tpu.vector_load %arg6[%swap3A_39] {strides = array<i32>} : memref<128xf32, #tpu.memory_space<vmem>>, vector<16xf32>,
    %swap3A_41 = vector.shape_cast %swap3A_40 : vector<16xf32> to vector<16xf32>
    %swap3A_42 = vector.shape_cast %broadcast_in_dim3A_38 : vector<16xf32> to vector<16xf32>
    tpu.vector_store %arg6[%swap3A_39], %swap3A_42 {strides = array<i32>} : memref<128xf32, #tpu.memory_space<vmem>>, vector<16xf32>,
    %broadcast_in_dim3A_43 = arith.constant 1.000000e+00 : f32
    %broadcast_in_dim3A_44 = vector.broadcast %broadcast_in_dim3A_43 : f32 to vector<16xf32>
    %swap3A_45 = arith.constant 112 : index
    %swap3A_46 = tpu.vector_load %arg6[%swap3A_45] {strides = array<i32>} : memref<128xf32, #tpu.memory_space<vmem>>, vector<16xf32>,
    %swap3A_47 = vector.shape_cast %swap3A_46 : vector<16xf32> to vector<16xf32>
    %swap3A_48 = vector.shape_cast %broadcast_in_dim3A_44 : vector<16xf32> to vector<16xf32>
    tpu.vector_store %arg6[%swap3A_45], %swap3A_48 {strides = array<i32>} : memref<128xf32, #tpu.memory_space<vmem>>, vector<16xf32>,
    %mul3A_49 = arith.constant 80 : i32
    %mul3A_50 = arith.muli %add3A, %mul3A_49 : i32
    "tpu.region"() ({
      %run_scoped3A = tpu.sem_alloc : memref<!tpu.dma_semaphore, #tpu.memory_space<semaphore_mem>>
      %dma_start3A = arith.constant 0 : i32
      %dma_start3A_57 = tpu.memref_slice %arg2[%mul3A_50, %dma_start3A] : memref<2696x128xi32, #tpu.memory_space<hbm>> -> memref<80x128xi32, #tpu.memory_space<hbm>>
      %dma_start3A_58 = arith.constant 0 : i32
      %dma_start3A_59 = tpu.memref_slice %arg2[%mul3A_50, %dma_start3A_58] : memref<2696x128xi32, #tpu.memory_space<hbm>> -> memref<80x128xi32, #tpu.memory_space<hbm>>
      tpu.enqueue_dma source(%dma_start3A_59 : memref<80x128xi32, #tpu.memory_space<hbm>>) target(%arg5 : memref<80x128xi32, #tpu.memory_space<vmem>>) target_semaphore(%run_scoped3A : memref<!tpu.dma_semaphore, #tpu.memory_space<semaphore_mem>>)
      %dma_wait3A = arith.constant 0 : i32
      %dma_wait3A_60 = tpu.memref_slice %arg2[%mul3A_50, %dma_wait3A] : memref<2696x128xi32, #tpu.memory_space<hbm>> -> memref<80x128xi32, #tpu.memory_space<hbm>>
      %dma_wait3A_61 = arith.constant 0 : i32
      %dma_wait3A_62 = tpu.memref_slice %arg2[%mul3A_50, %dma_wait3A_61] : memref<2696x128xi32, #tpu.memory_space<hbm>> -> memref<80x128xi32, #tpu.memory_space<hbm>>
      tpu.wait_dma2 semaphore(%run_scoped3A : memref<!tpu.dma_semaphore, #tpu.memory_space<semaphore_mem>>) src(%dma_wait3A_62 : memref<80x128xi32, #tpu.memory_space<hbm>>) dst(%arg5 : memref<80x128xi32, #tpu.memory_space<vmem>>)
      tpu.yield
    }) : () -> ()
    %barrier3A = arith.constant 0 : index
    tpu.barrier barrier_id(%barrier3A)
    %scan3A = arith.constant 0 : i32
    %scan3A_51 = arith.constant 0 : i32
    %scan3A_52 = arith.constant 80 : i32
    %scan3A_53 = arith.addi %scan3A_51, %scan3A_52 : i32
    %scan3A_54 = arith.constant 1 : i32
    scf.for %scan3A_57 = %scan3A_51 to %scan3A_53 step %scan3A_54  : i32 {
      "tpu.region"() ({
        %run_scoped3A = tpu.sem_alloc : memref<!tpu.dma_semaphore, #tpu.memory_space<semaphore_mem>>
        %dma_start3A = arith.constant 0 : i32
        %dma_start3A_58 = tpu.memref_slice %arg5[%scan3A_57, %dma_start3A] : memref<80x128xi32, #tpu.memory_space<vmem>> -> memref<1x128xi32, #tpu.memory_space<vmem>>
        %dma_start3A_59 = tpu.memref_squeeze %dma_start3A_58 : memref<1x128xi32, #tpu.memory_space<vmem>> -> memref<128xi32, #tpu.memory_space<vmem>>
        %dma_start3A_60 = arith.constant 0 : i32
        %dma_start3A_61 = tpu.memref_slice %arg7[%dma_start3A_60] : memref<10240xf32, #tpu.memory_space<vmem_shared>> -> memref<10240xf32, #tpu.memory_space<vmem_shared>>
        tpu.enqueue_indirect_dma source(%arg6 : memref<128xf32, #tpu.memory_space<vmem>>) target(%dma_start3A_61 : memref<10240xf32, #tpu.memory_space<vmem_shared>>) offsets(%dma_start3A_59 : memref<128xi32, #tpu.memory_space<vmem>>) semaphore(%run_scoped3A : memref<!tpu.dma_semaphore, #tpu.memory_space<semaphore_mem>>) {add = true}
        %dma_wait3A = arith.constant 0 : i32
        %dma_wait3A_62 = tpu.memref_slice %arg5[%scan3A_57, %dma_wait3A] : memref<80x128xi32, #tpu.memory_space<vmem>> -> memref<1x128xi32, #tpu.memory_space<vmem>>
        %dma_wait3A_63 = tpu.memref_squeeze %dma_wait3A_62 : memref<1x128xi32, #tpu.memory_space<vmem>> -> memref<128xi32, #tpu.memory_space<vmem>>
        %dma_wait3A_64 = arith.constant 0 : i32
        %dma_wait3A_65 = tpu.memref_slice %arg7[%dma_wait3A_64] : memref<10240xf32, #tpu.memory_space<vmem_shared>> -> memref<10240xf32, #tpu.memory_space<vmem_shared>>
        tpu.wait_indirect_dma semaphore(%run_scoped3A : memref<!tpu.dma_semaphore, #tpu.memory_space<semaphore_mem>>) src(%arg6 : memref<128xf32, #tpu.memory_space<vmem>>) dst(%dma_wait3A_65 : memref<10240xf32, #tpu.memory_space<vmem_shared>>)
        tpu.yield
      }) : () -> ()
    }
    %scan3A_55 = arith.constant 80 : i32
    %barrier3A_56 = arith.constant 0 : index
    tpu.barrier barrier_id(%barrier3A_56)
    "tpu.region"() ({
      %run_scoped3A = tpu.sem_alloc : memref<!tpu.dma_semaphore, #tpu.memory_space<semaphore_mem>>
      %dma_start3A = tpu.memref_slice %arg4[%arg0, %mul3A_2] : memref<2x10240xf32, #tpu.memory_space<hbm>> -> memref<1x640xf32, #tpu.memory_space<hbm>>
      %dma_start3A_57 = tpu.memref_squeeze %dma_start3A : memref<1x640xf32, #tpu.memory_space<hbm>> -> memref<640xf32, #tpu.memory_space<hbm>>
      %dma_start3A_58 = tpu.memref_slice %arg7[%mul3A_2] : memref<10240xf32, #tpu.memory_space<vmem_shared>> -> memref<640xf32, #tpu.memory_space<vmem_shared>>
      tpu.enqueue_dma source(%dma_start3A_58 : memref<640xf32, #tpu.memory_space<vmem_shared>>) target(%dma_start3A_57 : memref<640xf32, #tpu.memory_space<hbm>>) target_semaphore(%run_scoped3A : memref<!tpu.dma_semaphore, #tpu.memory_space<semaphore_mem>>)
      %dma_wait3A = tpu.memref_slice %arg4[%arg0, %mul3A_2] : memref<2x10240xf32, #tpu.memory_space<hbm>> -> memref<1x640xf32, #tpu.memory_space<hbm>>
      %dma_wait3A_59 = tpu.memref_squeeze %dma_wait3A : memref<1x640xf32, #tpu.memory_space<hbm>> -> memref<640xf32, #tpu.memory_space<hbm>>
      %dma_wait3A_60 = tpu.memref_slice %arg7[%mul3A_2] : memref<10240xf32, #tpu.memory_space<vmem_shared>> -> memref<640xf32, #tpu.memory_space<vmem_shared>>
      tpu.wait_dma2 semaphore(%run_scoped3A : memref<!tpu.dma_semaphore, #tpu.memory_space<semaphore_mem>>) src(%dma_wait3A_60 : memref<640xf32, #tpu.memory_space<vmem_shared>>) dst(%dma_wait3A_59 : memref<640xf32, #tpu.memory_space<hbm>>)
      tpu.yield
    }) : () -> ()
    return
  }
}

#map = affine_map<(d0, d1) -> (0, 0)>
#map1 = affine_map<(d0, d1) -> (0, 0, 0)>
module attributes {stable_mosaic.version = 14 : i64} {
  func.func @_prop_kernel(%arg0: i32, %arg1: i32, %arg2: memref<10240x64xf32, #tpu.memory_space<hbm>>, %arg3: memref<2696x128xi32, #tpu.memory_space<hbm>>, %arg4: memref<640x64xf32, #tpu.memory_space<hbm>>, %arg5: memref<2x10240x64xf32, #tpu.memory_space<hbm>>, %arg6: memref<148x128xi32, #tpu.memory_space<vmem>>, %arg7: memref<148x128xi32, #tpu.memory_space<vmem>>, %arg8: memref<148x128xi32, #tpu.memory_space<vmem>>, %arg9: memref<128x64xf32, #tpu.memory_space<vmem>>, %arg10: memref<128x64xf32, #tpu.memory_space<vmem>>, %arg11: memref<10240x64xf32, #tpu.memory_space<vmem_shared>>, %arg12: memref<!tpu.dma_semaphore, #tpu.memory_space<semaphore_mem>>, %arg13: memref<!tpu.dma_semaphore, #tpu.memory_space<semaphore_mem>>, %arg14: memref<!tpu.dma_semaphore, #tpu.memory_space<semaphore_mem>>, %arg15: memref<!tpu.dma_semaphore, #tpu.memory_space<semaphore_mem>>) attributes {dimension_semantics = [#tpu.dimension_semantics<core_parallel>, #tpu.dimension_semantics<subcore_parallel>], iteration_bounds = array<i64: 2, 16>, scalar_prefetch = 0 : i64, scratch_operands = 10 : i64, tpu.core_type = #tpu.core_type<sc_vector_subcore>, window_params = [{transform_indices = #map}, {transform_indices = #map}, {transform_indices = #map}, {transform_indices = #map1}]} {
    %mul3A = arith.constant 640 : i32
    %mul3A_0 = arith.muli %arg1, %mul3A : i32
    %eq3A = arith.constant 0 : i32
    %eq3A_1 = arith.cmpi eq, %arg0, %eq3A : i32
    %mul3A_2 = arith.constant 148 : i32
    %mul3A_3 = arith.muli %arg1, %mul3A_2 : i32
    %mul3A_4 = arith.constant 12 : i32
    %mul3A_5 = arith.muli %arg1, %mul3A_4 : i32
    %add3A = arith.constant 2368 : i32
    %add3A_6 = arith.addi %add3A, %mul3A_5 : i32
    %select_n3A = arith.select %eq3A_1, %mul3A_3, %add3A_6 : i32
    %eq3A_7 = arith.constant 0 : i32
    %eq3A_8 = arith.cmpi eq, %arg0, %eq3A_7 : i32
    %jit3A = arith.constant 74 : i32
    %jit3A_9 = arith.constant 6 : i32
    %select_n3A_10 = arith.select %eq3A_8, %jit3A, %jit3A_9 : i32
    "tpu.region"() ({
      %run_scoped3A = tpu.sem_alloc : memref<!tpu.dma_semaphore, #tpu.memory_space<semaphore_mem>>
      %dma_start3A = arith.constant 0 : i32
      %dma_start3A_28 = tpu.memref_slice %arg11[%mul3A_0, %dma_start3A] : memref<10240x64xf32, #tpu.memory_space<vmem_shared>> -> memref<640x64xf32, #tpu.memory_space<vmem_shared>>
      tpu.enqueue_dma source(%arg4 : memref<640x64xf32, #tpu.memory_space<hbm>>) target(%dma_start3A_28 : memref<640x64xf32, #tpu.memory_space<vmem_shared>>) target_semaphore(%run_scoped3A : memref<!tpu.dma_semaphore, #tpu.memory_space<semaphore_mem>>)
      %dma_wait3A = arith.constant 0 : i32
      %dma_wait3A_29 = tpu.memref_slice %arg11[%mul3A_0, %dma_wait3A] : memref<10240x64xf32, #tpu.memory_space<vmem_shared>> -> memref<640x64xf32, #tpu.memory_space<vmem_shared>>
      tpu.wait_dma2 semaphore(%run_scoped3A : memref<!tpu.dma_semaphore, #tpu.memory_space<semaphore_mem>>) src(%arg4 : memref<640x64xf32, #tpu.memory_space<hbm>>) dst(%dma_wait3A_29 : memref<640x64xf32, #tpu.memory_space<vmem_shared>>)
      tpu.yield
    }) : () -> ()
    "tpu.region"() ({
      %run_scoped3A = tpu.sem_alloc : memref<!tpu.dma_semaphore, #tpu.memory_space<semaphore_mem>>
      %dma_start3A = arith.constant 0 : i32
      %dma_start3A_28 = tpu.memref_slice %arg3[%select_n3A, %dma_start3A] : memref<2696x128xi32, #tpu.memory_space<hbm>> -> memref<148x128xi32, #tpu.memory_space<hbm>>
      %dma_start3A_29 = arith.constant 0 : i32
      %dma_start3A_30 = tpu.memref_slice %arg3[%select_n3A, %dma_start3A_29] : memref<2696x128xi32, #tpu.memory_space<hbm>> -> memref<148x128xi32, #tpu.memory_space<hbm>>
      tpu.enqueue_dma source(%dma_start3A_30 : memref<148x128xi32, #tpu.memory_space<hbm>>) target(%arg6 : memref<148x128xi32, #tpu.memory_space<vmem>>) target_semaphore(%run_scoped3A : memref<!tpu.dma_semaphore, #tpu.memory_space<semaphore_mem>>)
      %dma_wait3A = arith.constant 0 : i32
      %dma_wait3A_31 = tpu.memref_slice %arg3[%select_n3A, %dma_wait3A] : memref<2696x128xi32, #tpu.memory_space<hbm>> -> memref<148x128xi32, #tpu.memory_space<hbm>>
      %dma_wait3A_32 = arith.constant 0 : i32
      %dma_wait3A_33 = tpu.memref_slice %arg3[%select_n3A, %dma_wait3A_32] : memref<2696x128xi32, #tpu.memory_space<hbm>> -> memref<148x128xi32, #tpu.memory_space<hbm>>
      tpu.wait_dma2 semaphore(%run_scoped3A : memref<!tpu.dma_semaphore, #tpu.memory_space<semaphore_mem>>) src(%dma_wait3A_33 : memref<148x128xi32, #tpu.memory_space<hbm>>) dst(%arg6 : memref<148x128xi32, #tpu.memory_space<vmem>>)
      tpu.yield
    }) : () -> ()
    %scan3A = arith.constant 0 : i32
    %scan3A_11 = arith.constant 0 : i32
    %scan3A_12 = arith.constant 148 : i32
    %scan3A_13 = arith.addi %scan3A_11, %scan3A_12 : i32
    %scan3A_14 = arith.constant 1 : i32
    scf.for %scan3A_28 = %scan3A_11 to %scan3A_13 step %scan3A_14  : i32 {
      %get3A = arith.index_cast %scan3A_28 : i32 to index
      %get3A_29 = arith.constant 0 : index
      %get3A_30 = tpu.vector_load %arg6[%get3A, %get3A_29] {strides = array<i32>} : memref<148x128xi32, #tpu.memory_space<vmem>>, vector<1x16xi32>,
      %get3A_31 = vector.shape_cast %get3A_30 : vector<1x16xi32> to vector<16xi32>
      %and3A = arith.constant 65535 : i32
      %and3A_32 = vector.broadcast %and3A : i32 to vector<16xi32>
      %and3A_33 = arith.andi %get3A_31, %and3A_32 : vector<16xi32>
      %swap3A = arith.index_cast %scan3A_28 : i32 to index
      %swap3A_34 = arith.constant 0 : index
      %swap3A_35 = tpu.vector_load %arg7[%swap3A, %swap3A_34] {strides = array<i32>} : memref<148x128xi32, #tpu.memory_space<vmem>>, vector<1x16xi32>,
      %swap3A_36 = vector.shape_cast %swap3A_35 : vector<1x16xi32> to vector<16xi32>
      %swap3A_37 = vector.shape_cast %and3A_33 : vector<16xi32> to vector<1x16xi32>
      tpu.vector_store %arg7[%swap3A, %swap3A_34], %swap3A_37 {strides = array<i32>} : memref<148x128xi32, #tpu.memory_space<vmem>>, vector<1x16xi32>,
      %shift_right_logical3A = arith.constant 16 : i32
      %shift_right_logical3A_38 = vector.broadcast %shift_right_logical3A : i32 to vector<16xi32>
      %shift_right_logical3A_39 = arith.shrui %get3A_31, %shift_right_logical3A_38 : vector<16xi32>
      %swap3A_40 = arith.index_cast %scan3A_28 : i32 to index
      %swap3A_41 = arith.constant 0 : index
      %swap3A_42 = tpu.vector_load %arg8[%swap3A_40, %swap3A_41] {strides = array<i32>} : memref<148x128xi32, #tpu.memory_space<vmem>>, vector<1x16xi32>,
      %swap3A_43 = vector.shape_cast %swap3A_42 : vector<1x16xi32> to vector<16xi32>
      %swap3A_44 = vector.shape_cast %shift_right_logical3A_39 : vector<16xi32> to vector<1x16xi32>
      tpu.vector_store %arg8[%swap3A_40, %swap3A_41], %swap3A_44 {strides = array<i32>} : memref<148x128xi32, #tpu.memory_space<vmem>>, vector<1x16xi32>,
      %get3A_45 = arith.index_cast %scan3A_28 : i32 to index
      %get3A_46 = arith.constant 16 : index
      %get3A_47 = tpu.vector_load %arg6[%get3A_45, %get3A_46] {strides = array<i32>} : memref<148x128xi32, #tpu.memory_space<vmem>>, vector<1x16xi32>,
      %get3A_48 = vector.shape_cast %get3A_47 : vector<1x16xi32> to vector<16xi32>
      %and3A_49 = arith.constant 65535 : i32
      %and3A_50 = vector.broadcast %and3A_49 : i32 to vector<16xi32>
      %and3A_51 = arith.andi %get3A_48, %and3A_50 : vector<16xi32>
      %swap3A_52 = arith.index_cast %scan3A_28 : i32 to index
      %swap3A_53 = arith.constant 16 : index
      %swap3A_54 = tpu.vector_load %arg7[%swap3A_52, %swap3A_53] {strides = array<i32>} : memref<148x128xi32, #tpu.memory_space<vmem>>, vector<1x16xi32>,
      %swap3A_55 = vector.shape_cast %swap3A_54 : vector<1x16xi32> to vector<16xi32>
      %swap3A_56 = vector.shape_cast %and3A_51 : vector<16xi32> to vector<1x16xi32>
      tpu.vector_store %arg7[%swap3A_52, %swap3A_53], %swap3A_56 {strides = array<i32>} : memref<148x128xi32, #tpu.memory_space<vmem>>, vector<1x16xi32>,
      %shift_right_logical3A_57 = arith.constant 16 : i32
      %shift_right_logical3A_58 = vector.broadcast %shift_right_logical3A_57 : i32 to vector<16xi32>
      %shift_right_logical3A_59 = arith.shrui %get3A_48, %shift_right_logical3A_58 : vector<16xi32>
      %swap3A_60 = arith.index_cast %scan3A_28 : i32 to index
      %swap3A_61 = arith.constant 16 : index
      %swap3A_62 = tpu.vector_load %arg8[%swap3A_60, %swap3A_61] {strides = array<i32>} : memref<148x128xi32, #tpu.memory_space<vmem>>, vector<1x16xi32>,
      %swap3A_63 = vector.shape_cast %swap3A_62 : vector<1x16xi32> to vector<16xi32>
      %swap3A_64 = vector.shape_cast %shift_right_logical3A_59 : vector<16xi32> to vector<1x16xi32>
      tpu.vector_store %arg8[%swap3A_60, %swap3A_61], %swap3A_64 {strides = array<i32>} : memref<148x128xi32, #tpu.memory_space<vmem>>, vector<1x16xi32>,
      %get3A_65 = arith.index_cast %scan3A_28 : i32 to index
      %get3A_66 = arith.constant 32 : index
      %get3A_67 = tpu.vector_load %arg6[%get3A_65, %get3A_66] {strides = array<i32>} : memref<148x128xi32, #tpu.memory_space<vmem>>, vector<1x16xi32>,
      %get3A_68 = vector.shape_cast %get3A_67 : vector<1x16xi32> to vector<16xi32>
      %and3A_69 = arith.constant 65535 : i32
      %and3A_70 = vector.broadcast %and3A_69 : i32 to vector<16xi32>
      %and3A_71 = arith.andi %get3A_68, %and3A_70 : vector<16xi32>
      %swap3A_72 = arith.index_cast %scan3A_28 : i32 to index
      %swap3A_73 = arith.constant 32 : index
      %swap3A_74 = tpu.vector_load %arg7[%swap3A_72, %swap3A_73] {strides = array<i32>} : memref<148x128xi32, #tpu.memory_space<vmem>>, vector<1x16xi32>,
      %swap3A_75 = vector.shape_cast %swap3A_74 : vector<1x16xi32> to vector<16xi32>
      %swap3A_76 = vector.shape_cast %and3A_71 : vector<16xi32> to vector<1x16xi32>
      tpu.vector_store %arg7[%swap3A_72, %swap3A_73], %swap3A_76 {strides = array<i32>} : memref<148x128xi32, #tpu.memory_space<vmem>>, vector<1x16xi32>,
      %shift_right_logical3A_77 = arith.constant 16 : i32
      %shift_right_logical3A_78 = vector.broadcast %shift_right_logical3A_77 : i32 to vector<16xi32>
      %shift_right_logical3A_79 = arith.shrui %get3A_68, %shift_right_logical3A_78 : vector<16xi32>
      %swap3A_80 = arith.index_cast %scan3A_28 : i32 to index
      %swap3A_81 = arith.constant 32 : index
      %swap3A_82 = tpu.vector_load %arg8[%swap3A_80, %swap3A_81] {strides = array<i32>} : memref<148x128xi32, #tpu.memory_space<vmem>>, vector<1x16xi32>,
      %swap3A_83 = vector.shape_cast %swap3A_82 : vector<1x16xi32> to vector<16xi32>
      %swap3A_84 = vector.shape_cast %shift_right_logical3A_79 : vector<16xi32> to vector<1x16xi32>
      tpu.vector_store %arg8[%swap3A_80, %swap3A_81], %swap3A_84 {strides = array<i32>} : memref<148x128xi32, #tpu.memory_space<vmem>>, vector<1x16xi32>,
      %get3A_85 = arith.index_cast %scan3A_28 : i32 to index
      %get3A_86 = arith.constant 48 : index
      %get3A_87 = tpu.vector_load %arg6[%get3A_85, %get3A_86] {strides = array<i32>} : memref<148x128xi32, #tpu.memory_space<vmem>>, vector<1x16xi32>,
      %get3A_88 = vector.shape_cast %get3A_87 : vector<1x16xi32> to vector<16xi32>
      %and3A_89 = arith.constant 65535 : i32
      %and3A_90 = vector.broadcast %and3A_89 : i32 to vector<16xi32>
      %and3A_91 = arith.andi %get3A_88, %and3A_90 : vector<16xi32>
      %swap3A_92 = arith.index_cast %scan3A_28 : i32 to index
      %swap3A_93 = arith.constant 48 : index
      %swap3A_94 = tpu.vector_load %arg7[%swap3A_92, %swap3A_93] {strides = array<i32>} : memref<148x128xi32, #tpu.memory_space<vmem>>, vector<1x16xi32>,
      %swap3A_95 = vector.shape_cast %swap3A_94 : vector<1x16xi32> to vector<16xi32>
      %swap3A_96 = vector.shape_cast %and3A_91 : vector<16xi32> to vector<1x16xi32>
      tpu.vector_store %arg7[%swap3A_92, %swap3A_93], %swap3A_96 {strides = array<i32>} : memref<148x128xi32, #tpu.memory_space<vmem>>, vector<1x16xi32>,
      %shift_right_logical3A_97 = arith.constant 16 : i32
      %shift_right_logical3A_98 = vector.broadcast %shift_right_logical3A_97 : i32 to vector<16xi32>
      %shift_right_logical3A_99 = arith.shrui %get3A_88, %shift_right_logical3A_98 : vector<16xi32>
      %swap3A_100 = arith.index_cast %scan3A_28 : i32 to index
      %swap3A_101 = arith.constant 48 : index
      %swap3A_102 = tpu.vector_load %arg8[%swap3A_100, %swap3A_101] {strides = array<i32>} : memref<148x128xi32, #tpu.memory_space<vmem>>, vector<1x16xi32>,
      %swap3A_103 = vector.shape_cast %swap3A_102 : vector<1x16xi32> to vector<16xi32>
      %swap3A_104 = vector.shape_cast %shift_right_logical3A_99 : vector<16xi32> to vector<1x16xi32>
      tpu.vector_store %arg8[%swap3A_100, %swap3A_101], %swap3A_104 {strides = array<i32>} : memref<148x128xi32, #tpu.memory_space<vmem>>, vector<1x16xi32>,
      %get3A_105 = arith.index_cast %scan3A_28 : i32 to index
      %get3A_106 = arith.constant 64 : index
      %get3A_107 = tpu.vector_load %arg6[%get3A_105, %get3A_106] {strides = array<i32>} : memref<148x128xi32, #tpu.memory_space<vmem>>, vector<1x16xi32>,
      %get3A_108 = vector.shape_cast %get3A_107 : vector<1x16xi32> to vector<16xi32>
      %and3A_109 = arith.constant 65535 : i32
      %and3A_110 = vector.broadcast %and3A_109 : i32 to vector<16xi32>
      %and3A_111 = arith.andi %get3A_108, %and3A_110 : vector<16xi32>
      %swap3A_112 = arith.index_cast %scan3A_28 : i32 to index
      %swap3A_113 = arith.constant 64 : index
      %swap3A_114 = tpu.vector_load %arg7[%swap3A_112, %swap3A_113] {strides = array<i32>} : memref<148x128xi32, #tpu.memory_space<vmem>>, vector<1x16xi32>,
      %swap3A_115 = vector.shape_cast %swap3A_114 : vector<1x16xi32> to vector<16xi32>
      %swap3A_116 = vector.shape_cast %and3A_111 : vector<16xi32> to vector<1x16xi32>
      tpu.vector_store %arg7[%swap3A_112, %swap3A_113], %swap3A_116 {strides = array<i32>} : memref<148x128xi32, #tpu.memory_space<vmem>>, vector<1x16xi32>,
      %shift_right_logical3A_117 = arith.constant 16 : i32
      %shift_right_logical3A_118 = vector.broadcast %shift_right_logical3A_117 : i32 to vector<16xi32>
      %shift_right_logical3A_119 = arith.shrui %get3A_108, %shift_right_logical3A_118 : vector<16xi32>
      %swap3A_120 = arith.index_cast %scan3A_28 : i32 to index
      %swap3A_121 = arith.constant 64 : index
      %swap3A_122 = tpu.vector_load %arg8[%swap3A_120, %swap3A_121] {strides = array<i32>} : memref<148x128xi32, #tpu.memory_space<vmem>>, vector<1x16xi32>,
      %swap3A_123 = vector.shape_cast %swap3A_122 : vector<1x16xi32> to vector<16xi32>
      %swap3A_124 = vector.shape_cast %shift_right_logical3A_119 : vector<16xi32> to vector<1x16xi32>
      tpu.vector_store %arg8[%swap3A_120, %swap3A_121], %swap3A_124 {strides = array<i32>} : memref<148x128xi32, #tpu.memory_space<vmem>>, vector<1x16xi32>,
      %get3A_125 = arith.index_cast %scan3A_28 : i32 to index
      %get3A_126 = arith.constant 80 : index
      %get3A_127 = tpu.vector_load %arg6[%get3A_125, %get3A_126] {strides = array<i32>} : memref<148x128xi32, #tpu.memory_space<vmem>>, vector<1x16xi32>,
      %get3A_128 = vector.shape_cast %get3A_127 : vector<1x16xi32> to vector<16xi32>
      %and3A_129 = arith.constant 65535 : i32
      %and3A_130 = vector.broadcast %and3A_129 : i32 to vector<16xi32>
      %and3A_131 = arith.andi %get3A_128, %and3A_130 : vector<16xi32>
      %swap3A_132 = arith.index_cast %scan3A_28 : i32 to index
      %swap3A_133 = arith.constant 80 : index
      %swap3A_134 = tpu.vector_load %arg7[%swap3A_132, %swap3A_133] {strides = array<i32>} : memref<148x128xi32, #tpu.memory_space<vmem>>, vector<1x16xi32>,
      %swap3A_135 = vector.shape_cast %swap3A_134 : vector<1x16xi32> to vector<16xi32>
      %swap3A_136 = vector.shape_cast %and3A_131 : vector<16xi32> to vector<1x16xi32>
      tpu.vector_store %arg7[%swap3A_132, %swap3A_133], %swap3A_136 {strides = array<i32>} : memref<148x128xi32, #tpu.memory_space<vmem>>, vector<1x16xi32>,
      %shift_right_logical3A_137 = arith.constant 16 : i32
      %shift_right_logical3A_138 = vector.broadcast %shift_right_logical3A_137 : i32 to vector<16xi32>
      %shift_right_logical3A_139 = arith.shrui %get3A_128, %shift_right_logical3A_138 : vector<16xi32>
      %swap3A_140 = arith.index_cast %scan3A_28 : i32 to index
      %swap3A_141 = arith.constant 80 : index
      %swap3A_142 = tpu.vector_load %arg8[%swap3A_140, %swap3A_141] {strides = array<i32>} : memref<148x128xi32, #tpu.memory_space<vmem>>, vector<1x16xi32>,
      %swap3A_143 = vector.shape_cast %swap3A_142 : vector<1x16xi32> to vector<16xi32>
      %swap3A_144 = vector.shape_cast %shift_right_logical3A_139 : vector<16xi32> to vector<1x16xi32>
      tpu.vector_store %arg8[%swap3A_140, %swap3A_141], %swap3A_144 {strides = array<i32>} : memref<148x128xi32, #tpu.memory_space<vmem>>, vector<1x16xi32>,
      %get3A_145 = arith.index_cast %scan3A_28 : i32 to index
      %get3A_146 = arith.constant 96 : index
      %get3A_147 = tpu.vector_load %arg6[%get3A_145, %get3A_146] {strides = array<i32>} : memref<148x128xi32, #tpu.memory_space<vmem>>, vector<1x16xi32>,
      %get3A_148 = vector.shape_cast %get3A_147 : vector<1x16xi32> to vector<16xi32>
      %and3A_149 = arith.constant 65535 : i32
      %and3A_150 = vector.broadcast %and3A_149 : i32 to vector<16xi32>
      %and3A_151 = arith.andi %get3A_148, %and3A_150 : vector<16xi32>
      %swap3A_152 = arith.index_cast %scan3A_28 : i32 to index
      %swap3A_153 = arith.constant 96 : index
      %swap3A_154 = tpu.vector_load %arg7[%swap3A_152, %swap3A_153] {strides = array<i32>} : memref<148x128xi32, #tpu.memory_space<vmem>>, vector<1x16xi32>,
      %swap3A_155 = vector.shape_cast %swap3A_154 : vector<1x16xi32> to vector<16xi32>
      %swap3A_156 = vector.shape_cast %and3A_151 : vector<16xi32> to vector<1x16xi32>
      tpu.vector_store %arg7[%swap3A_152, %swap3A_153], %swap3A_156 {strides = array<i32>} : memref<148x128xi32, #tpu.memory_space<vmem>>, vector<1x16xi32>,
      %shift_right_logical3A_157 = arith.constant 16 : i32
      %shift_right_logical3A_158 = vector.broadcast %shift_right_logical3A_157 : i32 to vector<16xi32>
      %shift_right_logical3A_159 = arith.shrui %get3A_148, %shift_right_logical3A_158 : vector<16xi32>
      %swap3A_160 = arith.index_cast %scan3A_28 : i32 to index
      %swap3A_161 = arith.constant 96 : index
      %swap3A_162 = tpu.vector_load %arg8[%swap3A_160, %swap3A_161] {strides = array<i32>} : memref<148x128xi32, #tpu.memory_space<vmem>>, vector<1x16xi32>,
      %swap3A_163 = vector.shape_cast %swap3A_162 : vector<1x16xi32> to vector<16xi32>
      %swap3A_164 = vector.shape_cast %shift_right_logical3A_159 : vector<16xi32> to vector<1x16xi32>
      tpu.vector_store %arg8[%swap3A_160, %swap3A_161], %swap3A_164 {strides = array<i32>} : memref<148x128xi32, #tpu.memory_space<vmem>>, vector<1x16xi32>,
      %get3A_165 = arith.index_cast %scan3A_28 : i32 to index
      %get3A_166 = arith.constant 112 : index
      %get3A_167 = tpu.vector_load %arg6[%get3A_165, %get3A_166] {strides = array<i32>} : memref<148x128xi32, #tpu.memory_space<vmem>>, vector<1x16xi32>,
      %get3A_168 = vector.shape_cast %get3A_167 : vector<1x16xi32> to vector<16xi32>
      %and3A_169 = arith.constant 65535 : i32
      %and3A_170 = vector.broadcast %and3A_169 : i32 to vector<16xi32>
      %and3A_171 = arith.andi %get3A_168, %and3A_170 : vector<16xi32>
      %swap3A_172 = arith.index_cast %scan3A_28 : i32 to index
      %swap3A_173 = arith.constant 112 : index
      %swap3A_174 = tpu.vector_load %arg7[%swap3A_172, %swap3A_173] {strides = array<i32>} : memref<148x128xi32, #tpu.memory_space<vmem>>, vector<1x16xi32>,
      %swap3A_175 = vector.shape_cast %swap3A_174 : vector<1x16xi32> to vector<16xi32>
      %swap3A_176 = vector.shape_cast %and3A_171 : vector<16xi32> to vector<1x16xi32>
      tpu.vector_store %arg7[%swap3A_172, %swap3A_173], %swap3A_176 {strides = array<i32>} : memref<148x128xi32, #tpu.memory_space<vmem>>, vector<1x16xi32>,
      %shift_right_logical3A_177 = arith.constant 16 : i32
      %shift_right_logical3A_178 = vector.broadcast %shift_right_logical3A_177 : i32 to vector<16xi32>
      %shift_right_logical3A_179 = arith.shrui %get3A_168, %shift_right_logical3A_178 : vector<16xi32>
      %swap3A_180 = arith.index_cast %scan3A_28 : i32 to index
      %swap3A_181 = arith.constant 112 : index
      %swap3A_182 = tpu.vector_load %arg8[%swap3A_180, %swap3A_181] {strides = array<i32>} : memref<148x128xi32, #tpu.memory_space<vmem>>, vector<1x16xi32>,
      %swap3A_183 = vector.shape_cast %swap3A_182 : vector<1x16xi32> to vector<16xi32>
      %swap3A_184 = vector.shape_cast %shift_right_logical3A_179 : vector<16xi32> to vector<1x16xi32>
      tpu.vector_store %arg8[%swap3A_180, %swap3A_181], %swap3A_184 {strides = array<i32>} : memref<148x128xi32, #tpu.memory_space<vmem>>, vector<1x16xi32>,
    }
    %scan3A_15 = arith.constant 148 : i32
    %barrier3A = arith.constant 0 : index
    tpu.barrier barrier_id(%barrier3A)
    %gt3A = arith.constant 0 : i32
    %gt3A_16 = arith.cmpi sgt, %select_n3A_10, %gt3A : i32
    %convert_element_type3A = arith.extui %gt3A_16 : i1 to i32
    %cond3A = arith.constant 0 : i32
    %cond3A_17 = arith.cmpi ne, %convert_element_type3A, %cond3A : i32
    scf.if %cond3A_17 {
      %dma_start3A = arith.constant 0 : i32
      %dma_start3A_28 = arith.constant 0 : i32
      %dma_start3A_29 = tpu.memref_slice %arg7[%dma_start3A, %dma_start3A_28] : memref<148x128xi32, #tpu.memory_space<vmem>> -> memref<1x128xi32, #tpu.memory_space<vmem>>
      %dma_start3A_30 = tpu.memref_squeeze %dma_start3A_29 : memref<1x128xi32, #tpu.memory_space<vmem>> -> memref<128xi32, #tpu.memory_space<vmem>>
      %dma_start3A_31 = arith.constant 0 : i32
      %dma_start3A_32 = arith.constant 0 : i32
      %dma_start3A_33 = tpu.memref_slice %arg2[%dma_start3A_31, %dma_start3A_32] : memref<10240x64xf32, #tpu.memory_space<hbm>> -> memref<10240x64xf32, #tpu.memory_space<hbm>>
      tpu.enqueue_indirect_dma source(%dma_start3A_33 : memref<10240x64xf32, #tpu.memory_space<hbm>>) target(%arg9 : memref<128x64xf32, #tpu.memory_space<vmem>>) offsets(%dma_start3A_30 : memref<128xi32, #tpu.memory_space<vmem>>) semaphore(%arg12 : memref<!tpu.dma_semaphore, #tpu.memory_space<semaphore_mem>>)
      %dma_start3A_34 = arith.constant 1 : i32
      %dma_start3A_35 = arith.constant 0 : i32
      %dma_start3A_36 = tpu.memref_slice %arg7[%dma_start3A_34, %dma_start3A_35] : memref<148x128xi32, #tpu.memory_space<vmem>> -> memref<1x128xi32, #tpu.memory_space<vmem>>
      %dma_start3A_37 = tpu.memref_squeeze %dma_start3A_36 : memref<1x128xi32, #tpu.memory_space<vmem>> -> memref<128xi32, #tpu.memory_space<vmem>>
      %dma_start3A_38 = arith.constant 0 : i32
      %dma_start3A_39 = arith.constant 0 : i32
      %dma_start3A_40 = tpu.memref_slice %arg2[%dma_start3A_38, %dma_start3A_39] : memref<10240x64xf32, #tpu.memory_space<hbm>> -> memref<10240x64xf32, #tpu.memory_space<hbm>>
      tpu.enqueue_indirect_dma source(%dma_start3A_40 : memref<10240x64xf32, #tpu.memory_space<hbm>>) target(%arg10 : memref<128x64xf32, #tpu.memory_space<vmem>>) offsets(%dma_start3A_37 : memref<128xi32, #tpu.memory_space<vmem>>) semaphore(%arg13 : memref<!tpu.dma_semaphore, #tpu.memory_space<semaphore_mem>>)
    } else {
    }
    %while3A = arith.constant 0 : i32
    %while3A_18 = arith.constant 0 : i32
    %while3A_19 = arith.subi %select_n3A_10, %while3A_18 : i32
    %while3A_20 = arith.addi %while3A_18, %while3A_19 : i32
    %while3A_21 = arith.constant 1 : i32
    %while3A_22 = arith.divsi %while3A_19, %while3A_21 : i32
    %while3A_23 = arith.muli %while3A_22, %while3A_21 : i32
    %while3A_24 = arith.addi %while3A_18, %while3A_23 : i32
    %while3A_25 = arith.constant 1 : i32
    scf.for %while3A_28 = %while3A_18 to %while3A_24 step %while3A_25  : i32 {
      %mul3A_29 = arith.constant 2 : i32
      %mul3A_30 = arith.muli %mul3A_29, %while3A_28 : i32
      %add3A_31 = arith.constant 0 : i32
      %add3A_32 = arith.addi %mul3A_30, %add3A_31 : i32
      %dma_wait3A = arith.constant 0 : i32
      %dma_wait3A_33 = tpu.memref_slice %arg7[%add3A_32, %dma_wait3A] : memref<148x128xi32, #tpu.memory_space<vmem>> -> memref<1x128xi32, #tpu.memory_space<vmem>>
      %dma_wait3A_34 = tpu.memref_squeeze %dma_wait3A_33 : memref<1x128xi32, #tpu.memory_space<vmem>> -> memref<128xi32, #tpu.memory_space<vmem>>
      %dma_wait3A_35 = arith.constant 0 : i32
      %dma_wait3A_36 = arith.constant 0 : i32
      %dma_wait3A_37 = tpu.memref_slice %arg2[%dma_wait3A_35, %dma_wait3A_36] : memref<10240x64xf32, #tpu.memory_space<hbm>> -> memref<10240x64xf32, #tpu.memory_space<hbm>>
      tpu.wait_indirect_dma semaphore(%arg12 : memref<!tpu.dma_semaphore, #tpu.memory_space<semaphore_mem>>) src(%dma_wait3A_37 : memref<10240x64xf32, #tpu.memory_space<hbm>>) dst(%arg9 : memref<128x64xf32, #tpu.memory_space<vmem>>)
      %add3A_38 = arith.constant 0 : i32
      %add3A_39 = arith.addi %mul3A_30, %add3A_38 : i32
      %dma_start3A = arith.constant 0 : i32
      %dma_start3A_40 = tpu.memref_slice %arg8[%add3A_39, %dma_start3A] : memref<148x128xi32, #tpu.memory_space<vmem>> -> memref<1x128xi32, #tpu.memory_space<vmem>>
      %dma_start3A_41 = tpu.memref_squeeze %dma_start3A_40 : memref<1x128xi32, #tpu.memory_space<vmem>> -> memref<128xi32, #tpu.memory_space<vmem>>
      %dma_start3A_42 = arith.constant 0 : i32
      %dma_start3A_43 = arith.constant 0 : i32
      %dma_start3A_44 = tpu.memref_slice %arg11[%dma_start3A_42, %dma_start3A_43] : memref<10240x64xf32, #tpu.memory_space<vmem_shared>> -> memref<10240x64xf32, #tpu.memory_space<vmem_shared>>
      tpu.enqueue_indirect_dma source(%arg9 : memref<128x64xf32, #tpu.memory_space<vmem>>) target(%dma_start3A_44 : memref<10240x64xf32, #tpu.memory_space<vmem_shared>>) offsets(%dma_start3A_41 : memref<128xi32, #tpu.memory_space<vmem>>) semaphore(%arg14 : memref<!tpu.dma_semaphore, #tpu.memory_space<semaphore_mem>>) {add = true}
      %add3A_45 = arith.constant 1 : i32
      %add3A_46 = arith.addi %mul3A_30, %add3A_45 : i32
      %dma_wait3A_47 = arith.constant 0 : i32
      %dma_wait3A_48 = tpu.memref_slice %arg7[%add3A_46, %dma_wait3A_47] : memref<148x128xi32, #tpu.memory_space<vmem>> -> memref<1x128xi32, #tpu.memory_space<vmem>>
      %dma_wait3A_49 = tpu.memref_squeeze %dma_wait3A_48 : memref<1x128xi32, #tpu.memory_space<vmem>> -> memref<128xi32, #tpu.memory_space<vmem>>
      %dma_wait3A_50 = arith.constant 0 : i32
      %dma_wait3A_51 = arith.constant 0 : i32
      %dma_wait3A_52 = tpu.memref_slice %arg2[%dma_wait3A_50, %dma_wait3A_51] : memref<10240x64xf32, #tpu.memory_space<hbm>> -> memref<10240x64xf32, #tpu.memory_space<hbm>>
      tpu.wait_indirect_dma semaphore(%arg13 : memref<!tpu.dma_semaphore, #tpu.memory_space<semaphore_mem>>) src(%dma_wait3A_52 : memref<10240x64xf32, #tpu.memory_space<hbm>>) dst(%arg10 : memref<128x64xf32, #tpu.memory_space<vmem>>)
      %add3A_53 = arith.constant 1 : i32
      %add3A_54 = arith.addi %mul3A_30, %add3A_53 : i32
      %dma_start3A_55 = arith.constant 0 : i32
      %dma_start3A_56 = tpu.memref_slice %arg8[%add3A_54, %dma_start3A_55] : memref<148x128xi32, #tpu.memory_space<vmem>> -> memref<1x128xi32, #tpu.memory_space<vmem>>
      %dma_start3A_57 = tpu.memref_squeeze %dma_start3A_56 : memref<1x128xi32, #tpu.memory_space<vmem>> -> memref<128xi32, #tpu.memory_space<vmem>>
      %dma_start3A_58 = arith.constant 0 : i32
      %dma_start3A_59 = arith.constant 0 : i32
      %dma_start3A_60 = tpu.memref_slice %arg11[%dma_start3A_58, %dma_start3A_59] : memref<10240x64xf32, #tpu.memory_space<vmem_shared>> -> memref<10240x64xf32, #tpu.memory_space<vmem_shared>>
      tpu.enqueue_indirect_dma source(%arg10 : memref<128x64xf32, #tpu.memory_space<vmem>>) target(%dma_start3A_60 : memref<10240x64xf32, #tpu.memory_space<vmem_shared>>) offsets(%dma_start3A_57 : memref<128xi32, #tpu.memory_space<vmem>>) semaphore(%arg15 : memref<!tpu.dma_semaphore, #tpu.memory_space<semaphore_mem>>) {add = true}
      %add3A_61 = arith.constant 0 : i32
      %add3A_62 = arith.addi %mul3A_30, %add3A_61 : i32
      %dma_wait3A_63 = arith.constant 0 : i32
      %dma_wait3A_64 = tpu.memref_slice %arg8[%add3A_62, %dma_wait3A_63] : memref<148x128xi32, #tpu.memory_space<vmem>> -> memref<1x128xi32, #tpu.memory_space<vmem>>
      %dma_wait3A_65 = tpu.memref_squeeze %dma_wait3A_64 : memref<1x128xi32, #tpu.memory_space<vmem>> -> memref<128xi32, #tpu.memory_space<vmem>>
      %dma_wait3A_66 = arith.constant 0 : i32
      %dma_wait3A_67 = arith.constant 0 : i32
      %dma_wait3A_68 = tpu.memref_slice %arg11[%dma_wait3A_66, %dma_wait3A_67] : memref<10240x64xf32, #tpu.memory_space<vmem_shared>> -> memref<10240x64xf32, #tpu.memory_space<vmem_shared>>
      tpu.wait_indirect_dma semaphore(%arg14 : memref<!tpu.dma_semaphore, #tpu.memory_space<semaphore_mem>>) src(%arg9 : memref<128x64xf32, #tpu.memory_space<vmem>>) dst(%dma_wait3A_68 : memref<10240x64xf32, #tpu.memory_space<vmem_shared>>)
      %sub3A = arith.constant 1 : i32
      %sub3A_69 = arith.subi %select_n3A_10, %sub3A : i32
      %lt3A = arith.cmpi slt, %while3A_28, %sub3A_69 : i32
      %convert_element_type3A_70 = arith.extui %lt3A : i1 to i32
      %cond3A_71 = arith.constant 0 : i32
      %cond3A_72 = arith.cmpi ne, %convert_element_type3A_70, %cond3A_71 : i32
      scf.if %cond3A_72 {
        %add3A_87 = arith.constant 2 : i32
        %add3A_88 = arith.addi %mul3A_30, %add3A_87 : i32
        %add3A_89 = arith.constant 0 : i32
        %add3A_90 = arith.addi %add3A_88, %add3A_89 : i32
        %dma_start3A_91 = arith.constant 0 : i32
        %dma_start3A_92 = tpu.memref_slice %arg7[%add3A_90, %dma_start3A_91] : memref<148x128xi32, #tpu.memory_space<vmem>> -> memref<1x128xi32, #tpu.memory_space<vmem>>
        %dma_start3A_93 = tpu.memref_squeeze %dma_start3A_92 : memref<1x128xi32, #tpu.memory_space<vmem>> -> memref<128xi32, #tpu.memory_space<vmem>>
        %dma_start3A_94 = arith.constant 0 : i32
        %dma_start3A_95 = arith.constant 0 : i32
        %dma_start3A_96 = tpu.memref_slice %arg2[%dma_start3A_94, %dma_start3A_95] : memref<10240x64xf32, #tpu.memory_space<hbm>> -> memref<10240x64xf32, #tpu.memory_space<hbm>>
        tpu.enqueue_indirect_dma source(%dma_start3A_96 : memref<10240x64xf32, #tpu.memory_space<hbm>>) target(%arg9 : memref<128x64xf32, #tpu.memory_space<vmem>>) offsets(%dma_start3A_93 : memref<128xi32, #tpu.memory_space<vmem>>) semaphore(%arg12 : memref<!tpu.dma_semaphore, #tpu.memory_space<semaphore_mem>>)
      } else {
      }
      %add3A_73 = arith.constant 1 : i32
      %add3A_74 = arith.addi %mul3A_30, %add3A_73 : i32
      %dma_wait3A_75 = arith.constant 0 : i32
      %dma_wait3A_76 = tpu.memref_slice %arg8[%add3A_74, %dma_wait3A_75] : memref<148x128xi32, #tpu.memory_space<vmem>> -> memref<1x128xi32, #tpu.memory_space<vmem>>
      %dma_wait3A_77 = tpu.memref_squeeze %dma_wait3A_76 : memref<1x128xi32, #tpu.memory_space<vmem>> -> memref<128xi32, #tpu.memory_space<vmem>>
      %dma_wait3A_78 = arith.constant 0 : i32
      %dma_wait3A_79 = arith.constant 0 : i32
      %dma_wait3A_80 = tpu.memref_slice %arg11[%dma_wait3A_78, %dma_wait3A_79] : memref<10240x64xf32, #tpu.memory_space<vmem_shared>> -> memref<10240x64xf32, #tpu.memory_space<vmem_shared>>
      tpu.wait_indirect_dma semaphore(%arg15 : memref<!tpu.dma_semaphore, #tpu.memory_space<semaphore_mem>>) src(%arg10 : memref<128x64xf32, #tpu.memory_space<vmem>>) dst(%dma_wait3A_80 : memref<10240x64xf32, #tpu.memory_space<vmem_shared>>)
      %sub3A_81 = arith.constant 1 : i32
      %sub3A_82 = arith.subi %select_n3A_10, %sub3A_81 : i32
      %lt3A_83 = arith.cmpi slt, %while3A_28, %sub3A_82 : i32
      %convert_element_type3A_84 = arith.extui %lt3A_83 : i1 to i32
      %cond3A_85 = arith.constant 0 : i32
      %cond3A_86 = arith.cmpi ne, %convert_element_type3A_84, %cond3A_85 : i32
      scf.if %cond3A_86 {
        %add3A_87 = arith.constant 2 : i32
        %add3A_88 = arith.addi %mul3A_30, %add3A_87 : i32
        %add3A_89 = arith.constant 1 : i32
        %add3A_90 = arith.addi %add3A_88, %add3A_89 : i32
        %dma_start3A_91 = arith.constant 0 : i32
        %dma_start3A_92 = tpu.memref_slice %arg7[%add3A_90, %dma_start3A_91] : memref<148x128xi32, #tpu.memory_space<vmem>> -> memref<1x128xi32, #tpu.memory_space<vmem>>
        %dma_start3A_93 = tpu.memref_squeeze %dma_start3A_92 : memref<1x128xi32, #tpu.memory_space<vmem>> -> memref<128xi32, #tpu.memory_space<vmem>>
        %dma_start3A_94 = arith.constant 0 : i32
        %dma_start3A_95 = arith.constant 0 : i32
        %dma_start3A_96 = tpu.memref_slice %arg2[%dma_start3A_94, %dma_start3A_95] : memref<10240x64xf32, #tpu.memory_space<hbm>> -> memref<10240x64xf32, #tpu.memory_space<hbm>>
        tpu.enqueue_indirect_dma source(%dma_start3A_96 : memref<10240x64xf32, #tpu.memory_space<hbm>>) target(%arg10 : memref<128x64xf32, #tpu.memory_space<vmem>>) offsets(%dma_start3A_93 : memref<128xi32, #tpu.memory_space<vmem>>) semaphore(%arg13 : memref<!tpu.dma_semaphore, #tpu.memory_space<semaphore_mem>>)
      } else {
      }
    }
    %while3A_26 = arith.constant 1 : i32
    scf.for %while3A_28 = %while3A_24 to %while3A_20 step %while3A_26  : i32 {
      %mul3A_29 = arith.constant 2 : i32
      %mul3A_30 = arith.muli %mul3A_29, %while3A_28 : i32
      %add3A_31 = arith.constant 0 : i32
      %add3A_32 = arith.addi %mul3A_30, %add3A_31 : i32
      %dma_wait3A = arith.constant 0 : i32
      %dma_wait3A_33 = tpu.memref_slice %arg7[%add3A_32, %dma_wait3A] : memref<148x128xi32, #tpu.memory_space<vmem>> -> memref<1x128xi32, #tpu.memory_space<vmem>>
      %dma_wait3A_34 = tpu.memref_squeeze %dma_wait3A_33 : memref<1x128xi32, #tpu.memory_space<vmem>> -> memref<128xi32, #tpu.memory_space<vmem>>
      %dma_wait3A_35 = arith.constant 0 : i32
      %dma_wait3A_36 = arith.constant 0 : i32
      %dma_wait3A_37 = tpu.memref_slice %arg2[%dma_wait3A_35, %dma_wait3A_36] : memref<10240x64xf32, #tpu.memory_space<hbm>> -> memref<10240x64xf32, #tpu.memory_space<hbm>>
      tpu.wait_indirect_dma semaphore(%arg12 : memref<!tpu.dma_semaphore, #tpu.memory_space<semaphore_mem>>) src(%dma_wait3A_37 : memref<10240x64xf32, #tpu.memory_space<hbm>>) dst(%arg9 : memref<128x64xf32, #tpu.memory_space<vmem>>)
      %add3A_38 = arith.constant 0 : i32
      %add3A_39 = arith.addi %mul3A_30, %add3A_38 : i32
      %dma_start3A = arith.constant 0 : i32
      %dma_start3A_40 = tpu.memref_slice %arg8[%add3A_39, %dma_start3A] : memref<148x128xi32, #tpu.memory_space<vmem>> -> memref<1x128xi32, #tpu.memory_space<vmem>>
      %dma_start3A_41 = tpu.memref_squeeze %dma_start3A_40 : memref<1x128xi32, #tpu.memory_space<vmem>> -> memref<128xi32, #tpu.memory_space<vmem>>
      %dma_start3A_42 = arith.constant 0 : i32
      %dma_start3A_43 = arith.constant 0 : i32
      %dma_start3A_44 = tpu.memref_slice %arg11[%dma_start3A_42, %dma_start3A_43] : memref<10240x64xf32, #tpu.memory_space<vmem_shared>> -> memref<10240x64xf32, #tpu.memory_space<vmem_shared>>
      tpu.enqueue_indirect_dma source(%arg9 : memref<128x64xf32, #tpu.memory_space<vmem>>) target(%dma_start3A_44 : memref<10240x64xf32, #tpu.memory_space<vmem_shared>>) offsets(%dma_start3A_41 : memref<128xi32, #tpu.memory_space<vmem>>) semaphore(%arg14 : memref<!tpu.dma_semaphore, #tpu.memory_space<semaphore_mem>>) {add = true}
      %add3A_45 = arith.constant 1 : i32
      %add3A_46 = arith.addi %mul3A_30, %add3A_45 : i32
      %dma_wait3A_47 = arith.constant 0 : i32
      %dma_wait3A_48 = tpu.memref_slice %arg7[%add3A_46, %dma_wait3A_47] : memref<148x128xi32, #tpu.memory_space<vmem>> -> memref<1x128xi32, #tpu.memory_space<vmem>>
      %dma_wait3A_49 = tpu.memref_squeeze %dma_wait3A_48 : memref<1x128xi32, #tpu.memory_space<vmem>> -> memref<128xi32, #tpu.memory_space<vmem>>
      %dma_wait3A_50 = arith.constant 0 : i32
      %dma_wait3A_51 = arith.constant 0 : i32
      %dma_wait3A_52 = tpu.memref_slice %arg2[%dma_wait3A_50, %dma_wait3A_51] : memref<10240x64xf32, #tpu.memory_space<hbm>> -> memref<10240x64xf32, #tpu.memory_space<hbm>>
      tpu.wait_indirect_dma semaphore(%arg13 : memref<!tpu.dma_semaphore, #tpu.memory_space<semaphore_mem>>) src(%dma_wait3A_52 : memref<10240x64xf32, #tpu.memory_space<hbm>>) dst(%arg10 : memref<128x64xf32, #tpu.memory_space<vmem>>)
      %add3A_53 = arith.constant 1 : i32
      %add3A_54 = arith.addi %mul3A_30, %add3A_53 : i32
      %dma_start3A_55 = arith.constant 0 : i32
      %dma_start3A_56 = tpu.memref_slice %arg8[%add3A_54, %dma_start3A_55] : memref<148x128xi32, #tpu.memory_space<vmem>> -> memref<1x128xi32, #tpu.memory_space<vmem>>
      %dma_start3A_57 = tpu.memref_squeeze %dma_start3A_56 : memref<1x128xi32, #tpu.memory_space<vmem>> -> memref<128xi32, #tpu.memory_space<vmem>>
      %dma_start3A_58 = arith.constant 0 : i32
      %dma_start3A_59 = arith.constant 0 : i32
      %dma_start3A_60 = tpu.memref_slice %arg11[%dma_start3A_58, %dma_start3A_59] : memref<10240x64xf32, #tpu.memory_space<vmem_shared>> -> memref<10240x64xf32, #tpu.memory_space<vmem_shared>>
      tpu.enqueue_indirect_dma source(%arg10 : memref<128x64xf32, #tpu.memory_space<vmem>>) target(%dma_start3A_60 : memref<10240x64xf32, #tpu.memory_space<vmem_shared>>) offsets(%dma_start3A_57 : memref<128xi32, #tpu.memory_space<vmem>>) semaphore(%arg15 : memref<!tpu.dma_semaphore, #tpu.memory_space<semaphore_mem>>) {add = true}
      %add3A_61 = arith.constant 0 : i32
      %add3A_62 = arith.addi %mul3A_30, %add3A_61 : i32
      %dma_wait3A_63 = arith.constant 0 : i32
      %dma_wait3A_64 = tpu.memref_slice %arg8[%add3A_62, %dma_wait3A_63] : memref<148x128xi32, #tpu.memory_space<vmem>> -> memref<1x128xi32, #tpu.memory_space<vmem>>
      %dma_wait3A_65 = tpu.memref_squeeze %dma_wait3A_64 : memref<1x128xi32, #tpu.memory_space<vmem>> -> memref<128xi32, #tpu.memory_space<vmem>>
      %dma_wait3A_66 = arith.constant 0 : i32
      %dma_wait3A_67 = arith.constant 0 : i32
      %dma_wait3A_68 = tpu.memref_slice %arg11[%dma_wait3A_66, %dma_wait3A_67] : memref<10240x64xf32, #tpu.memory_space<vmem_shared>> -> memref<10240x64xf32, #tpu.memory_space<vmem_shared>>
      tpu.wait_indirect_dma semaphore(%arg14 : memref<!tpu.dma_semaphore, #tpu.memory_space<semaphore_mem>>) src(%arg9 : memref<128x64xf32, #tpu.memory_space<vmem>>) dst(%dma_wait3A_68 : memref<10240x64xf32, #tpu.memory_space<vmem_shared>>)
      %sub3A = arith.constant 1 : i32
      %sub3A_69 = arith.subi %select_n3A_10, %sub3A : i32
      %lt3A = arith.cmpi slt, %while3A_28, %sub3A_69 : i32
      %convert_element_type3A_70 = arith.extui %lt3A : i1 to i32
      %cond3A_71 = arith.constant 0 : i32
      %cond3A_72 = arith.cmpi ne, %convert_element_type3A_70, %cond3A_71 : i32
      scf.if %cond3A_72 {
        %add3A_87 = arith.constant 2 : i32
        %add3A_88 = arith.addi %mul3A_30, %add3A_87 : i32
        %add3A_89 = arith.constant 0 : i32
        %add3A_90 = arith.addi %add3A_88, %add3A_89 : i32
        %dma_start3A_91 = arith.constant 0 : i32
        %dma_start3A_92 = tpu.memref_slice %arg7[%add3A_90, %dma_start3A_91] : memref<148x128xi32, #tpu.memory_space<vmem>> -> memref<1x128xi32, #tpu.memory_space<vmem>>
        %dma_start3A_93 = tpu.memref_squeeze %dma_start3A_92 : memref<1x128xi32, #tpu.memory_space<vmem>> -> memref<128xi32, #tpu.memory_space<vmem>>
        %dma_start3A_94 = arith.constant 0 : i32
        %dma_start3A_95 = arith.constant 0 : i32
        %dma_start3A_96 = tpu.memref_slice %arg2[%dma_start3A_94, %dma_start3A_95] : memref<10240x64xf32, #tpu.memory_space<hbm>> -> memref<10240x64xf32, #tpu.memory_space<hbm>>
        tpu.enqueue_indirect_dma source(%dma_start3A_96 : memref<10240x64xf32, #tpu.memory_space<hbm>>) target(%arg9 : memref<128x64xf32, #tpu.memory_space<vmem>>) offsets(%dma_start3A_93 : memref<128xi32, #tpu.memory_space<vmem>>) semaphore(%arg12 : memref<!tpu.dma_semaphore, #tpu.memory_space<semaphore_mem>>)
      } else {
      }
      %add3A_73 = arith.constant 1 : i32
      %add3A_74 = arith.addi %mul3A_30, %add3A_73 : i32
      %dma_wait3A_75 = arith.constant 0 : i32
      %dma_wait3A_76 = tpu.memref_slice %arg8[%add3A_74, %dma_wait3A_75] : memref<148x128xi32, #tpu.memory_space<vmem>> -> memref<1x128xi32, #tpu.memory_space<vmem>>
      %dma_wait3A_77 = tpu.memref_squeeze %dma_wait3A_76 : memref<1x128xi32, #tpu.memory_space<vmem>> -> memref<128xi32, #tpu.memory_space<vmem>>
      %dma_wait3A_78 = arith.constant 0 : i32
      %dma_wait3A_79 = arith.constant 0 : i32
      %dma_wait3A_80 = tpu.memref_slice %arg11[%dma_wait3A_78, %dma_wait3A_79] : memref<10240x64xf32, #tpu.memory_space<vmem_shared>> -> memref<10240x64xf32, #tpu.memory_space<vmem_shared>>
      tpu.wait_indirect_dma semaphore(%arg15 : memref<!tpu.dma_semaphore, #tpu.memory_space<semaphore_mem>>) src(%arg10 : memref<128x64xf32, #tpu.memory_space<vmem>>) dst(%dma_wait3A_80 : memref<10240x64xf32, #tpu.memory_space<vmem_shared>>)
      %sub3A_81 = arith.constant 1 : i32
      %sub3A_82 = arith.subi %select_n3A_10, %sub3A_81 : i32
      %lt3A_83 = arith.cmpi slt, %while3A_28, %sub3A_82 : i32
      %convert_element_type3A_84 = arith.extui %lt3A_83 : i1 to i32
      %cond3A_85 = arith.constant 0 : i32
      %cond3A_86 = arith.cmpi ne, %convert_element_type3A_84, %cond3A_85 : i32
      scf.if %cond3A_86 {
        %add3A_87 = arith.constant 2 : i32
        %add3A_88 = arith.addi %mul3A_30, %add3A_87 : i32
        %add3A_89 = arith.constant 1 : i32
        %add3A_90 = arith.addi %add3A_88, %add3A_89 : i32
        %dma_start3A_91 = arith.constant 0 : i32
        %dma_start3A_92 = tpu.memref_slice %arg7[%add3A_90, %dma_start3A_91] : memref<148x128xi32, #tpu.memory_space<vmem>> -> memref<1x128xi32, #tpu.memory_space<vmem>>
        %dma_start3A_93 = tpu.memref_squeeze %dma_start3A_92 : memref<1x128xi32, #tpu.memory_space<vmem>> -> memref<128xi32, #tpu.memory_space<vmem>>
        %dma_start3A_94 = arith.constant 0 : i32
        %dma_start3A_95 = arith.constant 0 : i32
        %dma_start3A_96 = tpu.memref_slice %arg2[%dma_start3A_94, %dma_start3A_95] : memref<10240x64xf32, #tpu.memory_space<hbm>> -> memref<10240x64xf32, #tpu.memory_space<hbm>>
        tpu.enqueue_indirect_dma source(%dma_start3A_96 : memref<10240x64xf32, #tpu.memory_space<hbm>>) target(%arg10 : memref<128x64xf32, #tpu.memory_space<vmem>>) offsets(%dma_start3A_93 : memref<128xi32, #tpu.memory_space<vmem>>) semaphore(%arg13 : memref<!tpu.dma_semaphore, #tpu.memory_space<semaphore_mem>>)
      } else {
      }
    }
    %barrier3A_27 = arith.constant 0 : index
    tpu.barrier barrier_id(%barrier3A_27)
    "tpu.region"() ({
      %run_scoped3A = tpu.sem_alloc : memref<!tpu.dma_semaphore, #tpu.memory_space<semaphore_mem>>
      %dma_start3A = arith.constant 0 : i32
      %dma_start3A_28 = tpu.memref_slice %arg5[%arg0, %mul3A_0, %dma_start3A] : memref<2x10240x64xf32, #tpu.memory_space<hbm>> -> memref<1x640x64xf32, #tpu.memory_space<hbm>>
      %dma_start3A_29 = tpu.memref_squeeze %dma_start3A_28 : memref<1x640x64xf32, #tpu.memory_space<hbm>> -> memref<640x64xf32, #tpu.memory_space<hbm>>
      %dma_start3A_30 = arith.constant 0 : i32
      %dma_start3A_31 = tpu.memref_slice %arg11[%mul3A_0, %dma_start3A_30] : memref<10240x64xf32, #tpu.memory_space<vmem_shared>> -> memref<640x64xf32, #tpu.memory_space<vmem_shared>>
      tpu.enqueue_dma source(%dma_start3A_31 : memref<640x64xf32, #tpu.memory_space<vmem_shared>>) target(%dma_start3A_29 : memref<640x64xf32, #tpu.memory_space<hbm>>) target_semaphore(%run_scoped3A : memref<!tpu.dma_semaphore, #tpu.memory_space<semaphore_mem>>)
      %dma_wait3A = arith.constant 0 : i32
      %dma_wait3A_32 = tpu.memref_slice %arg5[%arg0, %mul3A_0, %dma_wait3A] : memref<2x10240x64xf32, #tpu.memory_space<hbm>> -> memref<1x640x64xf32, #tpu.memory_space<hbm>>
      %dma_wait3A_33 = tpu.memref_squeeze %dma_wait3A_32 : memref<1x640x64xf32, #tpu.memory_space<hbm>> -> memref<640x64xf32, #tpu.memory_space<hbm>>
      %dma_wait3A_34 = arith.constant 0 : i32
      %dma_wait3A_35 = tpu.memref_slice %arg11[%mul3A_0, %dma_wait3A_34] : memref<10240x64xf32, #tpu.memory_space<vmem_shared>> -> memref<640x64xf32, #tpu.memory_space<vmem_shared>>
      tpu.wait_dma2 semaphore(%run_scoped3A : memref<!tpu.dma_semaphore, #tpu.memory_space<semaphore_mem>>) src(%dma_wait3A_35 : memref<640x64xf32, #tpu.memory_space<vmem_shared>>) dst(%dma_wait3A_33 : memref<640x64xf32, #tpu.memory_space<hbm>>)
      tpu.yield
    }) : () -> ()
    return
  }
}

#map = affine_map<(d0, d1) -> (0, 0)>
#map1 = affine_map<(d0, d1) -> (0, 0, 0)>
module attributes {stable_mosaic.version = 14 : i64} {
  func.func @_prop_kernel(%arg0: i32, %arg1: i32, %arg2: memref<10240x64xf32, #tpu.memory_space<hbm>>, %arg3: memref<2696x128xi32, #tpu.memory_space<hbm>>, %arg4: memref<640x64xf32, #tpu.memory_space<hbm>>, %arg5: memref<2x10240x64xf32, #tpu.memory_space<hbm>>, %arg6: memref<148x128xi32, #tpu.memory_space<vmem>>, %arg7: memref<148x128xi32, #tpu.memory_space<vmem>>, %arg8: memref<148x128xi32, #tpu.memory_space<vmem>>, %arg9: memref<128x64xf32, #tpu.memory_space<vmem>>, %arg10: memref<128x64xf32, #tpu.memory_space<vmem>>, %arg11: memref<10240x64xf32, #tpu.memory_space<vmem_shared>>, %arg12: memref<!tpu.dma_semaphore, #tpu.memory_space<semaphore_mem>>, %arg13: memref<!tpu.dma_semaphore, #tpu.memory_space<semaphore_mem>>, %arg14: memref<!tpu.dma_semaphore, #tpu.memory_space<semaphore_mem>>, %arg15: memref<!tpu.dma_semaphore, #tpu.memory_space<semaphore_mem>>) attributes {dimension_semantics = [#tpu.dimension_semantics<core_parallel>, #tpu.dimension_semantics<subcore_parallel>], iteration_bounds = array<i64: 2, 16>, scalar_prefetch = 0 : i64, scratch_operands = 10 : i64, tpu.core_type = #tpu.core_type<sc_vector_subcore>, window_params = [{transform_indices = #map}, {transform_indices = #map}, {transform_indices = #map}, {transform_indices = #map1}]} {
    %mul3A = arith.constant 640 : i32
    %mul3A_0 = arith.muli %arg1, %mul3A : i32
    %eq3A = arith.constant 0 : i32
    %eq3A_1 = arith.cmpi eq, %arg0, %eq3A : i32
    %mul3A_2 = arith.constant 148 : i32
    %mul3A_3 = arith.muli %arg1, %mul3A_2 : i32
    %mul3A_4 = arith.constant 12 : i32
    %mul3A_5 = arith.muli %arg1, %mul3A_4 : i32
    %add3A = arith.constant 2368 : i32
    %add3A_6 = arith.addi %add3A, %mul3A_5 : i32
    %select_n3A = arith.select %eq3A_1, %mul3A_3, %add3A_6 : i32
    %eq3A_7 = arith.constant 0 : i32
    %eq3A_8 = arith.cmpi eq, %arg0, %eq3A_7 : i32
    %jit3A = arith.constant 74 : i32
    %jit3A_9 = arith.constant 6 : i32
    %select_n3A_10 = arith.select %eq3A_8, %jit3A, %jit3A_9 : i32
    "tpu.region"() ({
      %run_scoped3A = tpu.sem_alloc : memref<!tpu.dma_semaphore, #tpu.memory_space<semaphore_mem>>
      %dma_start3A = arith.constant 0 : i32
      %dma_start3A_28 = tpu.memref_slice %arg11[%mul3A_0, %dma_start3A] : memref<10240x64xf32, #tpu.memory_space<vmem_shared>> -> memref<640x64xf32, #tpu.memory_space<vmem_shared>>
      tpu.enqueue_dma source(%arg4 : memref<640x64xf32, #tpu.memory_space<hbm>>) target(%dma_start3A_28 : memref<640x64xf32, #tpu.memory_space<vmem_shared>>) target_semaphore(%run_scoped3A : memref<!tpu.dma_semaphore, #tpu.memory_space<semaphore_mem>>)
      %dma_wait3A = arith.constant 0 : i32
      %dma_wait3A_29 = tpu.memref_slice %arg11[%mul3A_0, %dma_wait3A] : memref<10240x64xf32, #tpu.memory_space<vmem_shared>> -> memref<640x64xf32, #tpu.memory_space<vmem_shared>>
      tpu.wait_dma2 semaphore(%run_scoped3A : memref<!tpu.dma_semaphore, #tpu.memory_space<semaphore_mem>>) src(%arg4 : memref<640x64xf32, #tpu.memory_space<hbm>>) dst(%dma_wait3A_29 : memref<640x64xf32, #tpu.memory_space<vmem_shared>>)
      tpu.yield
    }) : () -> ()
    "tpu.region"() ({
      %run_scoped3A = tpu.sem_alloc : memref<!tpu.dma_semaphore, #tpu.memory_space<semaphore_mem>>
      %dma_start3A = arith.constant 0 : i32
      %dma_start3A_28 = tpu.memref_slice %arg3[%select_n3A, %dma_start3A] : memref<2696x128xi32, #tpu.memory_space<hbm>> -> memref<148x128xi32, #tpu.memory_space<hbm>>
      %dma_start3A_29 = arith.constant 0 : i32
      %dma_start3A_30 = tpu.memref_slice %arg3[%select_n3A, %dma_start3A_29] : memref<2696x128xi32, #tpu.memory_space<hbm>> -> memref<148x128xi32, #tpu.memory_space<hbm>>
      tpu.enqueue_dma source(%dma_start3A_30 : memref<148x128xi32, #tpu.memory_space<hbm>>) target(%arg6 : memref<148x128xi32, #tpu.memory_space<vmem>>) target_semaphore(%run_scoped3A : memref<!tpu.dma_semaphore, #tpu.memory_space<semaphore_mem>>)
      %dma_wait3A = arith.constant 0 : i32
      %dma_wait3A_31 = tpu.memref_slice %arg3[%select_n3A, %dma_wait3A] : memref<2696x128xi32, #tpu.memory_space<hbm>> -> memref<148x128xi32, #tpu.memory_space<hbm>>
      %dma_wait3A_32 = arith.constant 0 : i32
      %dma_wait3A_33 = tpu.memref_slice %arg3[%select_n3A, %dma_wait3A_32] : memref<2696x128xi32, #tpu.memory_space<hbm>> -> memref<148x128xi32, #tpu.memory_space<hbm>>
      tpu.wait_dma2 semaphore(%run_scoped3A : memref<!tpu.dma_semaphore, #tpu.memory_space<semaphore_mem>>) src(%dma_wait3A_33 : memref<148x128xi32, #tpu.memory_space<hbm>>) dst(%arg6 : memref<148x128xi32, #tpu.memory_space<vmem>>)
      tpu.yield
    }) : () -> ()
    %scan3A = arith.constant 0 : i32
    %scan3A_11 = arith.constant 0 : i32
    %scan3A_12 = arith.constant 148 : i32
    %scan3A_13 = arith.addi %scan3A_11, %scan3A_12 : i32
    %scan3A_14 = arith.constant 1 : i32
    scf.for %scan3A_28 = %scan3A_11 to %scan3A_13 step %scan3A_14  : i32 {
      %get3A = arith.index_cast %scan3A_28 : i32 to index
      %get3A_29 = arith.constant 0 : index
      %get3A_30 = tpu.vector_load %arg6[%get3A, %get3A_29] {strides = array<i32>} : memref<148x128xi32, #tpu.memory_space<vmem>>, vector<1x16xi32>,
      %get3A_31 = vector.shape_cast %get3A_30 : vector<1x16xi32> to vector<16xi32>
      %and3A = arith.constant 65535 : i32
      %and3A_32 = vector.broadcast %and3A : i32 to vector<16xi32>
      %and3A_33 = arith.andi %get3A_31, %and3A_32 : vector<16xi32>
      %swap3A = arith.index_cast %scan3A_28 : i32 to index
      %swap3A_34 = arith.constant 0 : index
      %swap3A_35 = tpu.vector_load %arg7[%swap3A, %swap3A_34] {strides = array<i32>} : memref<148x128xi32, #tpu.memory_space<vmem>>, vector<1x16xi32>,
      %swap3A_36 = vector.shape_cast %swap3A_35 : vector<1x16xi32> to vector<16xi32>
      %swap3A_37 = vector.shape_cast %and3A_33 : vector<16xi32> to vector<1x16xi32>
      tpu.vector_store %arg7[%swap3A, %swap3A_34], %swap3A_37 {strides = array<i32>} : memref<148x128xi32, #tpu.memory_space<vmem>>, vector<1x16xi32>,
      %shift_right_logical3A = arith.constant 16 : i32
      %shift_right_logical3A_38 = vector.broadcast %shift_right_logical3A : i32 to vector<16xi32>
      %shift_right_logical3A_39 = arith.shrui %get3A_31, %shift_right_logical3A_38 : vector<16xi32>
      %swap3A_40 = arith.index_cast %scan3A_28 : i32 to index
      %swap3A_41 = arith.constant 0 : index
      %swap3A_42 = tpu.vector_load %arg8[%swap3A_40, %swap3A_41] {strides = array<i32>} : memref<148x128xi32, #tpu.memory_space<vmem>>, vector<1x16xi32>,
      %swap3A_43 = vector.shape_cast %swap3A_42 : vector<1x16xi32> to vector<16xi32>
      %swap3A_44 = vector.shape_cast %shift_right_logical3A_39 : vector<16xi32> to vector<1x16xi32>
      tpu.vector_store %arg8[%swap3A_40, %swap3A_41], %swap3A_44 {strides = array<i32>} : memref<148x128xi32, #tpu.memory_space<vmem>>, vector<1x16xi32>,
      %get3A_45 = arith.index_cast %scan3A_28 : i32 to index
      %get3A_46 = arith.constant 16 : index
      %get3A_47 = tpu.vector_load %arg6[%get3A_45, %get3A_46] {strides = array<i32>} : memref<148x128xi32, #tpu.memory_space<vmem>>, vector<1x16xi32>,
      %get3A_48 = vector.shape_cast %get3A_47 : vector<1x16xi32> to vector<16xi32>
      %and3A_49 = arith.constant 65535 : i32
      %and3A_50 = vector.broadcast %and3A_49 : i32 to vector<16xi32>
      %and3A_51 = arith.andi %get3A_48, %and3A_50 : vector<16xi32>
      %swap3A_52 = arith.index_cast %scan3A_28 : i32 to index
      %swap3A_53 = arith.constant 16 : index
      %swap3A_54 = tpu.vector_load %arg7[%swap3A_52, %swap3A_53] {strides = array<i32>} : memref<148x128xi32, #tpu.memory_space<vmem>>, vector<1x16xi32>,
      %swap3A_55 = vector.shape_cast %swap3A_54 : vector<1x16xi32> to vector<16xi32>
      %swap3A_56 = vector.shape_cast %and3A_51 : vector<16xi32> to vector<1x16xi32>
      tpu.vector_store %arg7[%swap3A_52, %swap3A_53], %swap3A_56 {strides = array<i32>} : memref<148x128xi32, #tpu.memory_space<vmem>>, vector<1x16xi32>,
      %shift_right_logical3A_57 = arith.constant 16 : i32
      %shift_right_logical3A_58 = vector.broadcast %shift_right_logical3A_57 : i32 to vector<16xi32>
      %shift_right_logical3A_59 = arith.shrui %get3A_48, %shift_right_logical3A_58 : vector<16xi32>
      %swap3A_60 = arith.index_cast %scan3A_28 : i32 to index
      %swap3A_61 = arith.constant 16 : index
      %swap3A_62 = tpu.vector_load %arg8[%swap3A_60, %swap3A_61] {strides = array<i32>} : memref<148x128xi32, #tpu.memory_space<vmem>>, vector<1x16xi32>,
      %swap3A_63 = vector.shape_cast %swap3A_62 : vector<1x16xi32> to vector<16xi32>
      %swap3A_64 = vector.shape_cast %shift_right_logical3A_59 : vector<16xi32> to vector<1x16xi32>
      tpu.vector_store %arg8[%swap3A_60, %swap3A_61], %swap3A_64 {strides = array<i32>} : memref<148x128xi32, #tpu.memory_space<vmem>>, vector<1x16xi32>,
      %get3A_65 = arith.index_cast %scan3A_28 : i32 to index
      %get3A_66 = arith.constant 32 : index
      %get3A_67 = tpu.vector_load %arg6[%get3A_65, %get3A_66] {strides = array<i32>} : memref<148x128xi32, #tpu.memory_space<vmem>>, vector<1x16xi32>,
      %get3A_68 = vector.shape_cast %get3A_67 : vector<1x16xi32> to vector<16xi32>
      %and3A_69 = arith.constant 65535 : i32
      %and3A_70 = vector.broadcast %and3A_69 : i32 to vector<16xi32>
      %and3A_71 = arith.andi %get3A_68, %and3A_70 : vector<16xi32>
      %swap3A_72 = arith.index_cast %scan3A_28 : i32 to index
      %swap3A_73 = arith.constant 32 : index
      %swap3A_74 = tpu.vector_load %arg7[%swap3A_72, %swap3A_73] {strides = array<i32>} : memref<148x128xi32, #tpu.memory_space<vmem>>, vector<1x16xi32>,
      %swap3A_75 = vector.shape_cast %swap3A_74 : vector<1x16xi32> to vector<16xi32>
      %swap3A_76 = vector.shape_cast %and3A_71 : vector<16xi32> to vector<1x16xi32>
      tpu.vector_store %arg7[%swap3A_72, %swap3A_73], %swap3A_76 {strides = array<i32>} : memref<148x128xi32, #tpu.memory_space<vmem>>, vector<1x16xi32>,
      %shift_right_logical3A_77 = arith.constant 16 : i32
      %shift_right_logical3A_78 = vector.broadcast %shift_right_logical3A_77 : i32 to vector<16xi32>
      %shift_right_logical3A_79 = arith.shrui %get3A_68, %shift_right_logical3A_78 : vector<16xi32>
      %swap3A_80 = arith.index_cast %scan3A_28 : i32 to index
      %swap3A_81 = arith.constant 32 : index
      %swap3A_82 = tpu.vector_load %arg8[%swap3A_80, %swap3A_81] {strides = array<i32>} : memref<148x128xi32, #tpu.memory_space<vmem>>, vector<1x16xi32>,
      %swap3A_83 = vector.shape_cast %swap3A_82 : vector<1x16xi32> to vector<16xi32>
      %swap3A_84 = vector.shape_cast %shift_right_logical3A_79 : vector<16xi32> to vector<1x16xi32>
      tpu.vector_store %arg8[%swap3A_80, %swap3A_81], %swap3A_84 {strides = array<i32>} : memref<148x128xi32, #tpu.memory_space<vmem>>, vector<1x16xi32>,
      %get3A_85 = arith.index_cast %scan3A_28 : i32 to index
      %get3A_86 = arith.constant 48 : index
      %get3A_87 = tpu.vector_load %arg6[%get3A_85, %get3A_86] {strides = array<i32>} : memref<148x128xi32, #tpu.memory_space<vmem>>, vector<1x16xi32>,
      %get3A_88 = vector.shape_cast %get3A_87 : vector<1x16xi32> to vector<16xi32>
      %and3A_89 = arith.constant 65535 : i32
      %and3A_90 = vector.broadcast %and3A_89 : i32 to vector<16xi32>
      %and3A_91 = arith.andi %get3A_88, %and3A_90 : vector<16xi32>
      %swap3A_92 = arith.index_cast %scan3A_28 : i32 to index
      %swap3A_93 = arith.constant 48 : index
      %swap3A_94 = tpu.vector_load %arg7[%swap3A_92, %swap3A_93] {strides = array<i32>} : memref<148x128xi32, #tpu.memory_space<vmem>>, vector<1x16xi32>,
      %swap3A_95 = vector.shape_cast %swap3A_94 : vector<1x16xi32> to vector<16xi32>
      %swap3A_96 = vector.shape_cast %and3A_91 : vector<16xi32> to vector<1x16xi32>
      tpu.vector_store %arg7[%swap3A_92, %swap3A_93], %swap3A_96 {strides = array<i32>} : memref<148x128xi32, #tpu.memory_space<vmem>>, vector<1x16xi32>,
      %shift_right_logical3A_97 = arith.constant 16 : i32
      %shift_right_logical3A_98 = vector.broadcast %shift_right_logical3A_97 : i32 to vector<16xi32>
      %shift_right_logical3A_99 = arith.shrui %get3A_88, %shift_right_logical3A_98 : vector<16xi32>
      %swap3A_100 = arith.index_cast %scan3A_28 : i32 to index
      %swap3A_101 = arith.constant 48 : index
      %swap3A_102 = tpu.vector_load %arg8[%swap3A_100, %swap3A_101] {strides = array<i32>} : memref<148x128xi32, #tpu.memory_space<vmem>>, vector<1x16xi32>,
      %swap3A_103 = vector.shape_cast %swap3A_102 : vector<1x16xi32> to vector<16xi32>
      %swap3A_104 = vector.shape_cast %shift_right_logical3A_99 : vector<16xi32> to vector<1x16xi32>
      tpu.vector_store %arg8[%swap3A_100, %swap3A_101], %swap3A_104 {strides = array<i32>} : memref<148x128xi32, #tpu.memory_space<vmem>>, vector<1x16xi32>,
      %get3A_105 = arith.index_cast %scan3A_28 : i32 to index
      %get3A_106 = arith.constant 64 : index
      %get3A_107 = tpu.vector_load %arg6[%get3A_105, %get3A_106] {strides = array<i32>} : memref<148x128xi32, #tpu.memory_space<vmem>>, vector<1x16xi32>,
      %get3A_108 = vector.shape_cast %get3A_107 : vector<1x16xi32> to vector<16xi32>
      %and3A_109 = arith.constant 65535 : i32
      %and3A_110 = vector.broadcast %and3A_109 : i32 to vector<16xi32>
      %and3A_111 = arith.andi %get3A_108, %and3A_110 : vector<16xi32>
      %swap3A_112 = arith.index_cast %scan3A_28 : i32 to index
      %swap3A_113 = arith.constant 64 : index
      %swap3A_114 = tpu.vector_load %arg7[%swap3A_112, %swap3A_113] {strides = array<i32>} : memref<148x128xi32, #tpu.memory_space<vmem>>, vector<1x16xi32>,
      %swap3A_115 = vector.shape_cast %swap3A_114 : vector<1x16xi32> to vector<16xi32>
      %swap3A_116 = vector.shape_cast %and3A_111 : vector<16xi32> to vector<1x16xi32>
      tpu.vector_store %arg7[%swap3A_112, %swap3A_113], %swap3A_116 {strides = array<i32>} : memref<148x128xi32, #tpu.memory_space<vmem>>, vector<1x16xi32>,
      %shift_right_logical3A_117 = arith.constant 16 : i32
      %shift_right_logical3A_118 = vector.broadcast %shift_right_logical3A_117 : i32 to vector<16xi32>
      %shift_right_logical3A_119 = arith.shrui %get3A_108, %shift_right_logical3A_118 : vector<16xi32>
      %swap3A_120 = arith.index_cast %scan3A_28 : i32 to index
      %swap3A_121 = arith.constant 64 : index
      %swap3A_122 = tpu.vector_load %arg8[%swap3A_120, %swap3A_121] {strides = array<i32>} : memref<148x128xi32, #tpu.memory_space<vmem>>, vector<1x16xi32>,
      %swap3A_123 = vector.shape_cast %swap3A_122 : vector<1x16xi32> to vector<16xi32>
      %swap3A_124 = vector.shape_cast %shift_right_logical3A_119 : vector<16xi32> to vector<1x16xi32>
      tpu.vector_store %arg8[%swap3A_120, %swap3A_121], %swap3A_124 {strides = array<i32>} : memref<148x128xi32, #tpu.memory_space<vmem>>, vector<1x16xi32>,
      %get3A_125 = arith.index_cast %scan3A_28 : i32 to index
      %get3A_126 = arith.constant 80 : index
      %get3A_127 = tpu.vector_load %arg6[%get3A_125, %get3A_126] {strides = array<i32>} : memref<148x128xi32, #tpu.memory_space<vmem>>, vector<1x16xi32>,
      %get3A_128 = vector.shape_cast %get3A_127 : vector<1x16xi32> to vector<16xi32>
      %and3A_129 = arith.constant 65535 : i32
      %and3A_130 = vector.broadcast %and3A_129 : i32 to vector<16xi32>
      %and3A_131 = arith.andi %get3A_128, %and3A_130 : vector<16xi32>
      %swap3A_132 = arith.index_cast %scan3A_28 : i32 to index
      %swap3A_133 = arith.constant 80 : index
      %swap3A_134 = tpu.vector_load %arg7[%swap3A_132, %swap3A_133] {strides = array<i32>} : memref<148x128xi32, #tpu.memory_space<vmem>>, vector<1x16xi32>,
      %swap3A_135 = vector.shape_cast %swap3A_134 : vector<1x16xi32> to vector<16xi32>
      %swap3A_136 = vector.shape_cast %and3A_131 : vector<16xi32> to vector<1x16xi32>
      tpu.vector_store %arg7[%swap3A_132, %swap3A_133], %swap3A_136 {strides = array<i32>} : memref<148x128xi32, #tpu.memory_space<vmem>>, vector<1x16xi32>,
      %shift_right_logical3A_137 = arith.constant 16 : i32
      %shift_right_logical3A_138 = vector.broadcast %shift_right_logical3A_137 : i32 to vector<16xi32>
      %shift_right_logical3A_139 = arith.shrui %get3A_128, %shift_right_logical3A_138 : vector<16xi32>
      %swap3A_140 = arith.index_cast %scan3A_28 : i32 to index
      %swap3A_141 = arith.constant 80 : index
      %swap3A_142 = tpu.vector_load %arg8[%swap3A_140, %swap3A_141] {strides = array<i32>} : memref<148x128xi32, #tpu.memory_space<vmem>>, vector<1x16xi32>,
      %swap3A_143 = vector.shape_cast %swap3A_142 : vector<1x16xi32> to vector<16xi32>
      %swap3A_144 = vector.shape_cast %shift_right_logical3A_139 : vector<16xi32> to vector<1x16xi32>
      tpu.vector_store %arg8[%swap3A_140, %swap3A_141], %swap3A_144 {strides = array<i32>} : memref<148x128xi32, #tpu.memory_space<vmem>>, vector<1x16xi32>,
      %get3A_145 = arith.index_cast %scan3A_28 : i32 to index
      %get3A_146 = arith.constant 96 : index
      %get3A_147 = tpu.vector_load %arg6[%get3A_145, %get3A_146] {strides = array<i32>} : memref<148x128xi32, #tpu.memory_space<vmem>>, vector<1x16xi32>,
      %get3A_148 = vector.shape_cast %get3A_147 : vector<1x16xi32> to vector<16xi32>
      %and3A_149 = arith.constant 65535 : i32
      %and3A_150 = vector.broadcast %and3A_149 : i32 to vector<16xi32>
      %and3A_151 = arith.andi %get3A_148, %and3A_150 : vector<16xi32>
      %swap3A_152 = arith.index_cast %scan3A_28 : i32 to index
      %swap3A_153 = arith.constant 96 : index
      %swap3A_154 = tpu.vector_load %arg7[%swap3A_152, %swap3A_153] {strides = array<i32>} : memref<148x128xi32, #tpu.memory_space<vmem>>, vector<1x16xi32>,
      %swap3A_155 = vector.shape_cast %swap3A_154 : vector<1x16xi32> to vector<16xi32>
      %swap3A_156 = vector.shape_cast %and3A_151 : vector<16xi32> to vector<1x16xi32>
      tpu.vector_store %arg7[%swap3A_152, %swap3A_153], %swap3A_156 {strides = array<i32>} : memref<148x128xi32, #tpu.memory_space<vmem>>, vector<1x16xi32>,
      %shift_right_logical3A_157 = arith.constant 16 : i32
      %shift_right_logical3A_158 = vector.broadcast %shift_right_logical3A_157 : i32 to vector<16xi32>
      %shift_right_logical3A_159 = arith.shrui %get3A_148, %shift_right_logical3A_158 : vector<16xi32>
      %swap3A_160 = arith.index_cast %scan3A_28 : i32 to index
      %swap3A_161 = arith.constant 96 : index
      %swap3A_162 = tpu.vector_load %arg8[%swap3A_160, %swap3A_161] {strides = array<i32>} : memref<148x128xi32, #tpu.memory_space<vmem>>, vector<1x16xi32>,
      %swap3A_163 = vector.shape_cast %swap3A_162 : vector<1x16xi32> to vector<16xi32>
      %swap3A_164 = vector.shape_cast %shift_right_logical3A_159 : vector<16xi32> to vector<1x16xi32>
      tpu.vector_store %arg8[%swap3A_160, %swap3A_161], %swap3A_164 {strides = array<i32>} : memref<148x128xi32, #tpu.memory_space<vmem>>, vector<1x16xi32>,
      %get3A_165 = arith.index_cast %scan3A_28 : i32 to index
      %get3A_166 = arith.constant 112 : index
      %get3A_167 = tpu.vector_load %arg6[%get3A_165, %get3A_166] {strides = array<i32>} : memref<148x128xi32, #tpu.memory_space<vmem>>, vector<1x16xi32>,
      %get3A_168 = vector.shape_cast %get3A_167 : vector<1x16xi32> to vector<16xi32>
      %and3A_169 = arith.constant 65535 : i32
      %and3A_170 = vector.broadcast %and3A_169 : i32 to vector<16xi32>
      %and3A_171 = arith.andi %get3A_168, %and3A_170 : vector<16xi32>
      %swap3A_172 = arith.index_cast %scan3A_28 : i32 to index
      %swap3A_173 = arith.constant 112 : index
      %swap3A_174 = tpu.vector_load %arg7[%swap3A_172, %swap3A_173] {strides = array<i32>} : memref<148x128xi32, #tpu.memory_space<vmem>>, vector<1x16xi32>,
      %swap3A_175 = vector.shape_cast %swap3A_174 : vector<1x16xi32> to vector<16xi32>
      %swap3A_176 = vector.shape_cast %and3A_171 : vector<16xi32> to vector<1x16xi32>
      tpu.vector_store %arg7[%swap3A_172, %swap3A_173], %swap3A_176 {strides = array<i32>} : memref<148x128xi32, #tpu.memory_space<vmem>>, vector<1x16xi32>,
      %shift_right_logical3A_177 = arith.constant 16 : i32
      %shift_right_logical3A_178 = vector.broadcast %shift_right_logical3A_177 : i32 to vector<16xi32>
      %shift_right_logical3A_179 = arith.shrui %get3A_168, %shift_right_logical3A_178 : vector<16xi32>
      %swap3A_180 = arith.index_cast %scan3A_28 : i32 to index
      %swap3A_181 = arith.constant 112 : index
      %swap3A_182 = tpu.vector_load %arg8[%swap3A_180, %swap3A_181] {strides = array<i32>} : memref<148x128xi32, #tpu.memory_space<vmem>>, vector<1x16xi32>,
      %swap3A_183 = vector.shape_cast %swap3A_182 : vector<1x16xi32> to vector<16xi32>
      %swap3A_184 = vector.shape_cast %shift_right_logical3A_179 : vector<16xi32> to vector<1x16xi32>
      tpu.vector_store %arg8[%swap3A_180, %swap3A_181], %swap3A_184 {strides = array<i32>} : memref<148x128xi32, #tpu.memory_space<vmem>>, vector<1x16xi32>,
    }
    %scan3A_15 = arith.constant 148 : i32
    %barrier3A = arith.constant 0 : index
    tpu.barrier barrier_id(%barrier3A)
    %gt3A = arith.constant 0 : i32
    %gt3A_16 = arith.cmpi sgt, %select_n3A_10, %gt3A : i32
    %convert_element_type3A = arith.extui %gt3A_16 : i1 to i32
    %cond3A = arith.constant 0 : i32
    %cond3A_17 = arith.cmpi ne, %convert_element_type3A, %cond3A : i32
    scf.if %cond3A_17 {
      %dma_start3A = arith.constant 0 : i32
      %dma_start3A_28 = arith.constant 0 : i32
      %dma_start3A_29 = tpu.memref_slice %arg7[%dma_start3A, %dma_start3A_28] : memref<148x128xi32, #tpu.memory_space<vmem>> -> memref<1x128xi32, #tpu.memory_space<vmem>>
      %dma_start3A_30 = tpu.memref_squeeze %dma_start3A_29 : memref<1x128xi32, #tpu.memory_space<vmem>> -> memref<128xi32, #tpu.memory_space<vmem>>
      %dma_start3A_31 = arith.constant 0 : i32
      %dma_start3A_32 = arith.constant 0 : i32
      %dma_start3A_33 = tpu.memref_slice %arg2[%dma_start3A_31, %dma_start3A_32] : memref<10240x64xf32, #tpu.memory_space<hbm>> -> memref<10240x64xf32, #tpu.memory_space<hbm>>
      tpu.enqueue_indirect_dma source(%dma_start3A_33 : memref<10240x64xf32, #tpu.memory_space<hbm>>) target(%arg9 : memref<128x64xf32, #tpu.memory_space<vmem>>) offsets(%dma_start3A_30 : memref<128xi32, #tpu.memory_space<vmem>>) semaphore(%arg12 : memref<!tpu.dma_semaphore, #tpu.memory_space<semaphore_mem>>)
      %dma_start3A_34 = arith.constant 1 : i32
      %dma_start3A_35 = arith.constant 0 : i32
      %dma_start3A_36 = tpu.memref_slice %arg7[%dma_start3A_34, %dma_start3A_35] : memref<148x128xi32, #tpu.memory_space<vmem>> -> memref<1x128xi32, #tpu.memory_space<vmem>>
      %dma_start3A_37 = tpu.memref_squeeze %dma_start3A_36 : memref<1x128xi32, #tpu.memory_space<vmem>> -> memref<128xi32, #tpu.memory_space<vmem>>
      %dma_start3A_38 = arith.constant 0 : i32
      %dma_start3A_39 = arith.constant 0 : i32
      %dma_start3A_40 = tpu.memref_slice %arg2[%dma_start3A_38, %dma_start3A_39] : memref<10240x64xf32, #tpu.memory_space<hbm>> -> memref<10240x64xf32, #tpu.memory_space<hbm>>
      tpu.enqueue_indirect_dma source(%dma_start3A_40 : memref<10240x64xf32, #tpu.memory_space<hbm>>) target(%arg10 : memref<128x64xf32, #tpu.memory_space<vmem>>) offsets(%dma_start3A_37 : memref<128xi32, #tpu.memory_space<vmem>>) semaphore(%arg13 : memref<!tpu.dma_semaphore, #tpu.memory_space<semaphore_mem>>)
    } else {
    }
    %while3A = arith.constant 0 : i32
    %while3A_18 = arith.constant 0 : i32
    %while3A_19 = arith.subi %select_n3A_10, %while3A_18 : i32
    %while3A_20 = arith.addi %while3A_18, %while3A_19 : i32
    %while3A_21 = arith.constant 1 : i32
    %while3A_22 = arith.divsi %while3A_19, %while3A_21 : i32
    %while3A_23 = arith.muli %while3A_22, %while3A_21 : i32
    %while3A_24 = arith.addi %while3A_18, %while3A_23 : i32
    %while3A_25 = arith.constant 1 : i32
    scf.for %while3A_28 = %while3A_18 to %while3A_24 step %while3A_25  : i32 {
      %mul3A_29 = arith.constant 2 : i32
      %mul3A_30 = arith.muli %mul3A_29, %while3A_28 : i32
      %add3A_31 = arith.constant 0 : i32
      %add3A_32 = arith.addi %mul3A_30, %add3A_31 : i32
      %dma_wait3A = arith.constant 0 : i32
      %dma_wait3A_33 = tpu.memref_slice %arg7[%add3A_32, %dma_wait3A] : memref<148x128xi32, #tpu.memory_space<vmem>> -> memref<1x128xi32, #tpu.memory_space<vmem>>
      %dma_wait3A_34 = tpu.memref_squeeze %dma_wait3A_33 : memref<1x128xi32, #tpu.memory_space<vmem>> -> memref<128xi32, #tpu.memory_space<vmem>>
      %dma_wait3A_35 = arith.constant 0 : i32
      %dma_wait3A_36 = arith.constant 0 : i32
      %dma_wait3A_37 = tpu.memref_slice %arg2[%dma_wait3A_35, %dma_wait3A_36] : memref<10240x64xf32, #tpu.memory_space<hbm>> -> memref<10240x64xf32, #tpu.memory_space<hbm>>
      tpu.wait_indirect_dma semaphore(%arg12 : memref<!tpu.dma_semaphore, #tpu.memory_space<semaphore_mem>>) src(%dma_wait3A_37 : memref<10240x64xf32, #tpu.memory_space<hbm>>) dst(%arg9 : memref<128x64xf32, #tpu.memory_space<vmem>>)
      %add3A_38 = arith.constant 0 : i32
      %add3A_39 = arith.addi %mul3A_30, %add3A_38 : i32
      %dma_start3A = arith.constant 0 : i32
      %dma_start3A_40 = tpu.memref_slice %arg8[%add3A_39, %dma_start3A] : memref<148x128xi32, #tpu.memory_space<vmem>> -> memref<1x128xi32, #tpu.memory_space<vmem>>
      %dma_start3A_41 = tpu.memref_squeeze %dma_start3A_40 : memref<1x128xi32, #tpu.memory_space<vmem>> -> memref<128xi32, #tpu.memory_space<vmem>>
      %dma_start3A_42 = arith.constant 0 : i32
      %dma_start3A_43 = arith.constant 0 : i32
      %dma_start3A_44 = tpu.memref_slice %arg11[%dma_start3A_42, %dma_start3A_43] : memref<10240x64xf32, #tpu.memory_space<vmem_shared>> -> memref<10240x64xf32, #tpu.memory_space<vmem_shared>>
      tpu.enqueue_indirect_dma source(%arg9 : memref<128x64xf32, #tpu.memory_space<vmem>>) target(%dma_start3A_44 : memref<10240x64xf32, #tpu.memory_space<vmem_shared>>) offsets(%dma_start3A_41 : memref<128xi32, #tpu.memory_space<vmem>>) semaphore(%arg14 : memref<!tpu.dma_semaphore, #tpu.memory_space<semaphore_mem>>) {add = true}
      %add3A_45 = arith.constant 1 : i32
      %add3A_46 = arith.addi %mul3A_30, %add3A_45 : i32
      %dma_wait3A_47 = arith.constant 0 : i32
      %dma_wait3A_48 = tpu.memref_slice %arg7[%add3A_46, %dma_wait3A_47] : memref<148x128xi32, #tpu.memory_space<vmem>> -> memref<1x128xi32, #tpu.memory_space<vmem>>
      %dma_wait3A_49 = tpu.memref_squeeze %dma_wait3A_48 : memref<1x128xi32, #tpu.memory_space<vmem>> -> memref<128xi32, #tpu.memory_space<vmem>>
      %dma_wait3A_50 = arith.constant 0 : i32
      %dma_wait3A_51 = arith.constant 0 : i32
      %dma_wait3A_52 = tpu.memref_slice %arg2[%dma_wait3A_50, %dma_wait3A_51] : memref<10240x64xf32, #tpu.memory_space<hbm>> -> memref<10240x64xf32, #tpu.memory_space<hbm>>
      tpu.wait_indirect_dma semaphore(%arg13 : memref<!tpu.dma_semaphore, #tpu.memory_space<semaphore_mem>>) src(%dma_wait3A_52 : memref<10240x64xf32, #tpu.memory_space<hbm>>) dst(%arg10 : memref<128x64xf32, #tpu.memory_space<vmem>>)
      %add3A_53 = arith.constant 1 : i32
      %add3A_54 = arith.addi %mul3A_30, %add3A_53 : i32
      %dma_start3A_55 = arith.constant 0 : i32
      %dma_start3A_56 = tpu.memref_slice %arg8[%add3A_54, %dma_start3A_55] : memref<148x128xi32, #tpu.memory_space<vmem>> -> memref<1x128xi32, #tpu.memory_space<vmem>>
      %dma_start3A_57 = tpu.memref_squeeze %dma_start3A_56 : memref<1x128xi32, #tpu.memory_space<vmem>> -> memref<128xi32, #tpu.memory_space<vmem>>
      %dma_start3A_58 = arith.constant 0 : i32
      %dma_start3A_59 = arith.constant 0 : i32
      %dma_start3A_60 = tpu.memref_slice %arg11[%dma_start3A_58, %dma_start3A_59] : memref<10240x64xf32, #tpu.memory_space<vmem_shared>> -> memref<10240x64xf32, #tpu.memory_space<vmem_shared>>
      tpu.enqueue_indirect_dma source(%arg10 : memref<128x64xf32, #tpu.memory_space<vmem>>) target(%dma_start3A_60 : memref<10240x64xf32, #tpu.memory_space<vmem_shared>>) offsets(%dma_start3A_57 : memref<128xi32, #tpu.memory_space<vmem>>) semaphore(%arg15 : memref<!tpu.dma_semaphore, #tpu.memory_space<semaphore_mem>>) {add = true}
      %add3A_61 = arith.constant 0 : i32
      %add3A_62 = arith.addi %mul3A_30, %add3A_61 : i32
      %dma_wait3A_63 = arith.constant 0 : i32
      %dma_wait3A_64 = tpu.memref_slice %arg8[%add3A_62, %dma_wait3A_63] : memref<148x128xi32, #tpu.memory_space<vmem>> -> memref<1x128xi32, #tpu.memory_space<vmem>>
      %dma_wait3A_65 = tpu.memref_squeeze %dma_wait3A_64 : memref<1x128xi32, #tpu.memory_space<vmem>> -> memref<128xi32, #tpu.memory_space<vmem>>
      %dma_wait3A_66 = arith.constant 0 : i32
      %dma_wait3A_67 = arith.constant 0 : i32
      %dma_wait3A_68 = tpu.memref_slice %arg11[%dma_wait3A_66, %dma_wait3A_67] : memref<10240x64xf32, #tpu.memory_space<vmem_shared>> -> memref<10240x64xf32, #tpu.memory_space<vmem_shared>>
      tpu.wait_indirect_dma semaphore(%arg14 : memref<!tpu.dma_semaphore, #tpu.memory_space<semaphore_mem>>) src(%arg9 : memref<128x64xf32, #tpu.memory_space<vmem>>) dst(%dma_wait3A_68 : memref<10240x64xf32, #tpu.memory_space<vmem_shared>>)
      %sub3A = arith.constant 1 : i32
      %sub3A_69 = arith.subi %select_n3A_10, %sub3A : i32
      %lt3A = arith.cmpi slt, %while3A_28, %sub3A_69 : i32
      %convert_element_type3A_70 = arith.extui %lt3A : i1 to i32
      %cond3A_71 = arith.constant 0 : i32
      %cond3A_72 = arith.cmpi ne, %convert_element_type3A_70, %cond3A_71 : i32
      scf.if %cond3A_72 {
        %add3A_87 = arith.constant 2 : i32
        %add3A_88 = arith.addi %mul3A_30, %add3A_87 : i32
        %add3A_89 = arith.constant 0 : i32
        %add3A_90 = arith.addi %add3A_88, %add3A_89 : i32
        %dma_start3A_91 = arith.constant 0 : i32
        %dma_start3A_92 = tpu.memref_slice %arg7[%add3A_90, %dma_start3A_91] : memref<148x128xi32, #tpu.memory_space<vmem>> -> memref<1x128xi32, #tpu.memory_space<vmem>>
        %dma_start3A_93 = tpu.memref_squeeze %dma_start3A_92 : memref<1x128xi32, #tpu.memory_space<vmem>> -> memref<128xi32, #tpu.memory_space<vmem>>
        %dma_start3A_94 = arith.constant 0 : i32
        %dma_start3A_95 = arith.constant 0 : i32
        %dma_start3A_96 = tpu.memref_slice %arg2[%dma_start3A_94, %dma_start3A_95] : memref<10240x64xf32, #tpu.memory_space<hbm>> -> memref<10240x64xf32, #tpu.memory_space<hbm>>
        tpu.enqueue_indirect_dma source(%dma_start3A_96 : memref<10240x64xf32, #tpu.memory_space<hbm>>) target(%arg9 : memref<128x64xf32, #tpu.memory_space<vmem>>) offsets(%dma_start3A_93 : memref<128xi32, #tpu.memory_space<vmem>>) semaphore(%arg12 : memref<!tpu.dma_semaphore, #tpu.memory_space<semaphore_mem>>)
      } else {
      }
      %add3A_73 = arith.constant 1 : i32
      %add3A_74 = arith.addi %mul3A_30, %add3A_73 : i32
      %dma_wait3A_75 = arith.constant 0 : i32
      %dma_wait3A_76 = tpu.memref_slice %arg8[%add3A_74, %dma_wait3A_75] : memref<148x128xi32, #tpu.memory_space<vmem>> -> memref<1x128xi32, #tpu.memory_space<vmem>>
      %dma_wait3A_77 = tpu.memref_squeeze %dma_wait3A_76 : memref<1x128xi32, #tpu.memory_space<vmem>> -> memref<128xi32, #tpu.memory_space<vmem>>
      %dma_wait3A_78 = arith.constant 0 : i32
      %dma_wait3A_79 = arith.constant 0 : i32
      %dma_wait3A_80 = tpu.memref_slice %arg11[%dma_wait3A_78, %dma_wait3A_79] : memref<10240x64xf32, #tpu.memory_space<vmem_shared>> -> memref<10240x64xf32, #tpu.memory_space<vmem_shared>>
      tpu.wait_indirect_dma semaphore(%arg15 : memref<!tpu.dma_semaphore, #tpu.memory_space<semaphore_mem>>) src(%arg10 : memref<128x64xf32, #tpu.memory_space<vmem>>) dst(%dma_wait3A_80 : memref<10240x64xf32, #tpu.memory_space<vmem_shared>>)
      %sub3A_81 = arith.constant 1 : i32
      %sub3A_82 = arith.subi %select_n3A_10, %sub3A_81 : i32
      %lt3A_83 = arith.cmpi slt, %while3A_28, %sub3A_82 : i32
      %convert_element_type3A_84 = arith.extui %lt3A_83 : i1 to i32
      %cond3A_85 = arith.constant 0 : i32
      %cond3A_86 = arith.cmpi ne, %convert_element_type3A_84, %cond3A_85 : i32
      scf.if %cond3A_86 {
        %add3A_87 = arith.constant 2 : i32
        %add3A_88 = arith.addi %mul3A_30, %add3A_87 : i32
        %add3A_89 = arith.constant 1 : i32
        %add3A_90 = arith.addi %add3A_88, %add3A_89 : i32
        %dma_start3A_91 = arith.constant 0 : i32
        %dma_start3A_92 = tpu.memref_slice %arg7[%add3A_90, %dma_start3A_91] : memref<148x128xi32, #tpu.memory_space<vmem>> -> memref<1x128xi32, #tpu.memory_space<vmem>>
        %dma_start3A_93 = tpu.memref_squeeze %dma_start3A_92 : memref<1x128xi32, #tpu.memory_space<vmem>> -> memref<128xi32, #tpu.memory_space<vmem>>
        %dma_start3A_94 = arith.constant 0 : i32
        %dma_start3A_95 = arith.constant 0 : i32
        %dma_start3A_96 = tpu.memref_slice %arg2[%dma_start3A_94, %dma_start3A_95] : memref<10240x64xf32, #tpu.memory_space<hbm>> -> memref<10240x64xf32, #tpu.memory_space<hbm>>
        tpu.enqueue_indirect_dma source(%dma_start3A_96 : memref<10240x64xf32, #tpu.memory_space<hbm>>) target(%arg10 : memref<128x64xf32, #tpu.memory_space<vmem>>) offsets(%dma_start3A_93 : memref<128xi32, #tpu.memory_space<vmem>>) semaphore(%arg13 : memref<!tpu.dma_semaphore, #tpu.memory_space<semaphore_mem>>)
      } else {
      }
    }
    %while3A_26 = arith.constant 1 : i32
    scf.for %while3A_28 = %while3A_24 to %while3A_20 step %while3A_26  : i32 {
      %mul3A_29 = arith.constant 2 : i32
      %mul3A_30 = arith.muli %mul3A_29, %while3A_28 : i32
      %add3A_31 = arith.constant 0 : i32
      %add3A_32 = arith.addi %mul3A_30, %add3A_31 : i32
      %dma_wait3A = arith.constant 0 : i32
      %dma_wait3A_33 = tpu.memref_slice %arg7[%add3A_32, %dma_wait3A] : memref<148x128xi32, #tpu.memory_space<vmem>> -> memref<1x128xi32, #tpu.memory_space<vmem>>
      %dma_wait3A_34 = tpu.memref_squeeze %dma_wait3A_33 : memref<1x128xi32, #tpu.memory_space<vmem>> -> memref<128xi32, #tpu.memory_space<vmem>>
      %dma_wait3A_35 = arith.constant 0 : i32
      %dma_wait3A_36 = arith.constant 0 : i32
      %dma_wait3A_37 = tpu.memref_slice %arg2[%dma_wait3A_35, %dma_wait3A_36] : memref<10240x64xf32, #tpu.memory_space<hbm>> -> memref<10240x64xf32, #tpu.memory_space<hbm>>
      tpu.wait_indirect_dma semaphore(%arg12 : memref<!tpu.dma_semaphore, #tpu.memory_space<semaphore_mem>>) src(%dma_wait3A_37 : memref<10240x64xf32, #tpu.memory_space<hbm>>) dst(%arg9 : memref<128x64xf32, #tpu.memory_space<vmem>>)
      %add3A_38 = arith.constant 0 : i32
      %add3A_39 = arith.addi %mul3A_30, %add3A_38 : i32
      %dma_start3A = arith.constant 0 : i32
      %dma_start3A_40 = tpu.memref_slice %arg8[%add3A_39, %dma_start3A] : memref<148x128xi32, #tpu.memory_space<vmem>> -> memref<1x128xi32, #tpu.memory_space<vmem>>
      %dma_start3A_41 = tpu.memref_squeeze %dma_start3A_40 : memref<1x128xi32, #tpu.memory_space<vmem>> -> memref<128xi32, #tpu.memory_space<vmem>>
      %dma_start3A_42 = arith.constant 0 : i32
      %dma_start3A_43 = arith.constant 0 : i32
      %dma_start3A_44 = tpu.memref_slice %arg11[%dma_start3A_42, %dma_start3A_43] : memref<10240x64xf32, #tpu.memory_space<vmem_shared>> -> memref<10240x64xf32, #tpu.memory_space<vmem_shared>>
      tpu.enqueue_indirect_dma source(%arg9 : memref<128x64xf32, #tpu.memory_space<vmem>>) target(%dma_start3A_44 : memref<10240x64xf32, #tpu.memory_space<vmem_shared>>) offsets(%dma_start3A_41 : memref<128xi32, #tpu.memory_space<vmem>>) semaphore(%arg14 : memref<!tpu.dma_semaphore, #tpu.memory_space<semaphore_mem>>) {add = true}
      %add3A_45 = arith.constant 1 : i32
      %add3A_46 = arith.addi %mul3A_30, %add3A_45 : i32
      %dma_wait3A_47 = arith.constant 0 : i32
      %dma_wait3A_48 = tpu.memref_slice %arg7[%add3A_46, %dma_wait3A_47] : memref<148x128xi32, #tpu.memory_space<vmem>> -> memref<1x128xi32, #tpu.memory_space<vmem>>
      %dma_wait3A_49 = tpu.memref_squeeze %dma_wait3A_48 : memref<1x128xi32, #tpu.memory_space<vmem>> -> memref<128xi32, #tpu.memory_space<vmem>>
      %dma_wait3A_50 = arith.constant 0 : i32
      %dma_wait3A_51 = arith.constant 0 : i32
      %dma_wait3A_52 = tpu.memref_slice %arg2[%dma_wait3A_50, %dma_wait3A_51] : memref<10240x64xf32, #tpu.memory_space<hbm>> -> memref<10240x64xf32, #tpu.memory_space<hbm>>
      tpu.wait_indirect_dma semaphore(%arg13 : memref<!tpu.dma_semaphore, #tpu.memory_space<semaphore_mem>>) src(%dma_wait3A_52 : memref<10240x64xf32, #tpu.memory_space<hbm>>) dst(%arg10 : memref<128x64xf32, #tpu.memory_space<vmem>>)
      %add3A_53 = arith.constant 1 : i32
      %add3A_54 = arith.addi %mul3A_30, %add3A_53 : i32
      %dma_start3A_55 = arith.constant 0 : i32
      %dma_start3A_56 = tpu.memref_slice %arg8[%add3A_54, %dma_start3A_55] : memref<148x128xi32, #tpu.memory_space<vmem>> -> memref<1x128xi32, #tpu.memory_space<vmem>>
      %dma_start3A_57 = tpu.memref_squeeze %dma_start3A_56 : memref<1x128xi32, #tpu.memory_space<vmem>> -> memref<128xi32, #tpu.memory_space<vmem>>
      %dma_start3A_58 = arith.constant 0 : i32
      %dma_start3A_59 = arith.constant 0 : i32
      %dma_start3A_60 = tpu.memref_slice %arg11[%dma_start3A_58, %dma_start3A_59] : memref<10240x64xf32, #tpu.memory_space<vmem_shared>> -> memref<10240x64xf32, #tpu.memory_space<vmem_shared>>
      tpu.enqueue_indirect_dma source(%arg10 : memref<128x64xf32, #tpu.memory_space<vmem>>) target(%dma_start3A_60 : memref<10240x64xf32, #tpu.memory_space<vmem_shared>>) offsets(%dma_start3A_57 : memref<128xi32, #tpu.memory_space<vmem>>) semaphore(%arg15 : memref<!tpu.dma_semaphore, #tpu.memory_space<semaphore_mem>>) {add = true}
      %add3A_61 = arith.constant 0 : i32
      %add3A_62 = arith.addi %mul3A_30, %add3A_61 : i32
      %dma_wait3A_63 = arith.constant 0 : i32
      %dma_wait3A_64 = tpu.memref_slice %arg8[%add3A_62, %dma_wait3A_63] : memref<148x128xi32, #tpu.memory_space<vmem>> -> memref<1x128xi32, #tpu.memory_space<vmem>>
      %dma_wait3A_65 = tpu.memref_squeeze %dma_wait3A_64 : memref<1x128xi32, #tpu.memory_space<vmem>> -> memref<128xi32, #tpu.memory_space<vmem>>
      %dma_wait3A_66 = arith.constant 0 : i32
      %dma_wait3A_67 = arith.constant 0 : i32
      %dma_wait3A_68 = tpu.memref_slice %arg11[%dma_wait3A_66, %dma_wait3A_67] : memref<10240x64xf32, #tpu.memory_space<vmem_shared>> -> memref<10240x64xf32, #tpu.memory_space<vmem_shared>>
      tpu.wait_indirect_dma semaphore(%arg14 : memref<!tpu.dma_semaphore, #tpu.memory_space<semaphore_mem>>) src(%arg9 : memref<128x64xf32, #tpu.memory_space<vmem>>) dst(%dma_wait3A_68 : memref<10240x64xf32, #tpu.memory_space<vmem_shared>>)
      %sub3A = arith.constant 1 : i32
      %sub3A_69 = arith.subi %select_n3A_10, %sub3A : i32
      %lt3A = arith.cmpi slt, %while3A_28, %sub3A_69 : i32
      %convert_element_type3A_70 = arith.extui %lt3A : i1 to i32
      %cond3A_71 = arith.constant 0 : i32
      %cond3A_72 = arith.cmpi ne, %convert_element_type3A_70, %cond3A_71 : i32
      scf.if %cond3A_72 {
        %add3A_87 = arith.constant 2 : i32
        %add3A_88 = arith.addi %mul3A_30, %add3A_87 : i32
        %add3A_89 = arith.constant 0 : i32
        %add3A_90 = arith.addi %add3A_88, %add3A_89 : i32
        %dma_start3A_91 = arith.constant 0 : i32
        %dma_start3A_92 = tpu.memref_slice %arg7[%add3A_90, %dma_start3A_91] : memref<148x128xi32, #tpu.memory_space<vmem>> -> memref<1x128xi32, #tpu.memory_space<vmem>>
        %dma_start3A_93 = tpu.memref_squeeze %dma_start3A_92 : memref<1x128xi32, #tpu.memory_space<vmem>> -> memref<128xi32, #tpu.memory_space<vmem>>
        %dma_start3A_94 = arith.constant 0 : i32
        %dma_start3A_95 = arith.constant 0 : i32
        %dma_start3A_96 = tpu.memref_slice %arg2[%dma_start3A_94, %dma_start3A_95] : memref<10240x64xf32, #tpu.memory_space<hbm>> -> memref<10240x64xf32, #tpu.memory_space<hbm>>
        tpu.enqueue_indirect_dma source(%dma_start3A_96 : memref<10240x64xf32, #tpu.memory_space<hbm>>) target(%arg9 : memref<128x64xf32, #tpu.memory_space<vmem>>) offsets(%dma_start3A_93 : memref<128xi32, #tpu.memory_space<vmem>>) semaphore(%arg12 : memref<!tpu.dma_semaphore, #tpu.memory_space<semaphore_mem>>)
      } else {
      }
      %add3A_73 = arith.constant 1 : i32
      %add3A_74 = arith.addi %mul3A_30, %add3A_73 : i32
      %dma_wait3A_75 = arith.constant 0 : i32
      %dma_wait3A_76 = tpu.memref_slice %arg8[%add3A_74, %dma_wait3A_75] : memref<148x128xi32, #tpu.memory_space<vmem>> -> memref<1x128xi32, #tpu.memory_space<vmem>>
      %dma_wait3A_77 = tpu.memref_squeeze %dma_wait3A_76 : memref<1x128xi32, #tpu.memory_space<vmem>> -> memref<128xi32, #tpu.memory_space<vmem>>
      %dma_wait3A_78 = arith.constant 0 : i32
      %dma_wait3A_79 = arith.constant 0 : i32
      %dma_wait3A_80 = tpu.memref_slice %arg11[%dma_wait3A_78, %dma_wait3A_79] : memref<10240x64xf32, #tpu.memory_space<vmem_shared>> -> memref<10240x64xf32, #tpu.memory_space<vmem_shared>>
      tpu.wait_indirect_dma semaphore(%arg15 : memref<!tpu.dma_semaphore, #tpu.memory_space<semaphore_mem>>) src(%arg10 : memref<128x64xf32, #tpu.memory_space<vmem>>) dst(%dma_wait3A_80 : memref<10240x64xf32, #tpu.memory_space<vmem_shared>>)
      %sub3A_81 = arith.constant 1 : i32
      %sub3A_82 = arith.subi %select_n3A_10, %sub3A_81 : i32
      %lt3A_83 = arith.cmpi slt, %while3A_28, %sub3A_82 : i32
      %convert_element_type3A_84 = arith.extui %lt3A_83 : i1 to i32
      %cond3A_85 = arith.constant 0 : i32
      %cond3A_86 = arith.cmpi ne, %convert_element_type3A_84, %cond3A_85 : i32
      scf.if %cond3A_86 {
        %add3A_87 = arith.constant 2 : i32
        %add3A_88 = arith.addi %mul3A_30, %add3A_87 : i32
        %add3A_89 = arith.constant 1 : i32
        %add3A_90 = arith.addi %add3A_88, %add3A_89 : i32
        %dma_start3A_91 = arith.constant 0 : i32
        %dma_start3A_92 = tpu.memref_slice %arg7[%add3A_90, %dma_start3A_91] : memref<148x128xi32, #tpu.memory_space<vmem>> -> memref<1x128xi32, #tpu.memory_space<vmem>>
        %dma_start3A_93 = tpu.memref_squeeze %dma_start3A_92 : memref<1x128xi32, #tpu.memory_space<vmem>> -> memref<128xi32, #tpu.memory_space<vmem>>
        %dma_start3A_94 = arith.constant 0 : i32
        %dma_start3A_95 = arith.constant 0 : i32
        %dma_start3A_96 = tpu.memref_slice %arg2[%dma_start3A_94, %dma_start3A_95] : memref<10240x64xf32, #tpu.memory_space<hbm>> -> memref<10240x64xf32, #tpu.memory_space<hbm>>
        tpu.enqueue_indirect_dma source(%dma_start3A_96 : memref<10240x64xf32, #tpu.memory_space<hbm>>) target(%arg10 : memref<128x64xf32, #tpu.memory_space<vmem>>) offsets(%dma_start3A_93 : memref<128xi32, #tpu.memory_space<vmem>>) semaphore(%arg13 : memref<!tpu.dma_semaphore, #tpu.memory_space<semaphore_mem>>)
      } else {
      }
    }
    %barrier3A_27 = arith.constant 0 : index
    tpu.barrier barrier_id(%barrier3A_27)
    "tpu.region"() ({
      %run_scoped3A = tpu.sem_alloc : memref<!tpu.dma_semaphore, #tpu.memory_space<semaphore_mem>>
      %dma_start3A = arith.constant 0 : i32
      %dma_start3A_28 = tpu.memref_slice %arg5[%arg0, %mul3A_0, %dma_start3A] : memref<2x10240x64xf32, #tpu.memory_space<hbm>> -> memref<1x640x64xf32, #tpu.memory_space<hbm>>
      %dma_start3A_29 = tpu.memref_squeeze %dma_start3A_28 : memref<1x640x64xf32, #tpu.memory_space<hbm>> -> memref<640x64xf32, #tpu.memory_space<hbm>>
      %dma_start3A_30 = arith.constant 0 : i32
      %dma_start3A_31 = tpu.memref_slice %arg11[%mul3A_0, %dma_start3A_30] : memref<10240x64xf32, #tpu.memory_space<vmem_shared>> -> memref<640x64xf32, #tpu.memory_space<vmem_shared>>
      tpu.enqueue_dma source(%dma_start3A_31 : memref<640x64xf32, #tpu.memory_space<vmem_shared>>) target(%dma_start3A_29 : memref<640x64xf32, #tpu.memory_space<hbm>>) target_semaphore(%run_scoped3A : memref<!tpu.dma_semaphore, #tpu.memory_space<semaphore_mem>>)
      %dma_wait3A = arith.constant 0 : i32
      %dma_wait3A_32 = tpu.memref_slice %arg5[%arg0, %mul3A_0, %dma_wait3A] : memref<2x10240x64xf32, #tpu.memory_space<hbm>> -> memref<1x640x64xf32, #tpu.memory_space<hbm>>
      %dma_wait3A_33 = tpu.memref_squeeze %dma_wait3A_32 : memref<1x640x64xf32, #tpu.memory_space<hbm>> -> memref<640x64xf32, #tpu.memory_space<hbm>>
      %dma_wait3A_34 = arith.constant 0 : i32
      %dma_wait3A_35 = tpu.memref_slice %arg11[%mul3A_0, %dma_wait3A_34] : memref<10240x64xf32, #tpu.memory_space<vmem_shared>> -> memref<640x64xf32, #tpu.memory_space<vmem_shared>>
      tpu.wait_dma2 semaphore(%run_scoped3A : memref<!tpu.dma_semaphore, #tpu.memory_space<semaphore_mem>>) src(%dma_wait3A_35 : memref<640x64xf32, #tpu.memory_space<vmem_shared>>) dst(%dma_wait3A_33 : memref<640x64xf32, #tpu.memory_space<hbm>>)
      tpu.yield
    }) : () -> ()
    return
  }
}

module attributes {stable_mosaic.version = 14 : i64} {
  func.func @_l1_body(%arg0: i32, %arg1: memref<1024x128xf32, #tpu.memory_space<vmem>>, %arg2: memref<128x64xf32, #tpu.memory_space<vmem>>, %arg3: memref<1024x2xf32, #tpu.memory_space<vmem>>, %arg4: memref<1024x64xf32, #tpu.memory_space<vmem>>) attributes {dimension_semantics = [#tpu.dimension_semantics<arbitrary>], iteration_bounds = array<i64: 10>, scalar_prefetch = 0 : i64, scratch_operands = 0 : i64, tpu.core_type = #tpu.core_type<tc>, window_params = [{transform_indices = @transform_0, window_bounds = array<i64: 1024, 128>}, {pipeline_mode = #tpu.pipeline_mode<synchronous>, transform_indices = @transform_1, window_bounds = array<i64: 128, 64>}, {transform_indices = @transform_2, window_bounds = array<i64: 1024, 2>}, {transform_indices = @transform_3, window_bounds = array<i64: 1024, 64>}]} {
    %get3A = arith.constant 0 : index
    %get3A_0 = arith.constant 0 : index
    %get3A_1 = vector.load %arg3[%get3A, %get3A_0] : memref<1024x2xf32, #tpu.memory_space<vmem>>, vector<1024x1xf32>
    %get3A_2 = arith.constant 0 : index
    %get3A_3 = arith.constant 1 : index
    %get3A_4 = vector.load %arg3[%get3A_2, %get3A_3] : memref<1024x2xf32, #tpu.memory_space<vmem>>, vector<1024x1xf32>
    %add3A = arith.addf %get3A_1, %get3A_4 : vector<1024x1xf32>
    %gt3A = arith.constant 0.000000e+00 : f32
    %gt3A_5 = vector.broadcast %gt3A : f32 to vector<1024x1xf32>
    %gt3A_6 = arith.cmpf ogt, %add3A, %gt3A_5 : vector<1024x1xf32>
    %rsqrt3A = math.rsqrt %add3A : vector<1024x1xf32>
    %jit3A = arith.constant 0.000000e+00 : f32
    %broadcast_in_dim3A = vector.broadcast %jit3A : f32 to vector<1024x1xf32>
    %select_n3A = arith.select %gt3A_6, %rsqrt3A, %broadcast_in_dim3A : vector<1024x1xi1>, vector<1024x1xf32>
    %get3A_7 = arith.constant 0 : index
    %get3A_8 = arith.constant 0 : index
    %get3A_9 = vector.load %arg1[%get3A_7, %get3A_8] : memref<1024x128xf32, #tpu.memory_space<vmem>>, vector<1024x128xf32>
    %get3A_10 = arith.constant 0 : index
    %get3A_11 = arith.constant 0 : index
    %get3A_12 = vector.load %arg2[%get3A_10, %get3A_11] : memref<128x64xf32, #tpu.memory_space<vmem>>, vector<128x64xf32>
    %dot_general3A = arith.constant dense<0.000000e+00> : vector<1024x64xf32>
    %dot_general3A_13 = tpu.matmul %get3A_9, %get3A_12, %dot_general3A {dimension_numbers = #tpu.dot_dimension_numbers<[1], [0], [0], [1], [0, 0, 1, 1], [], []>, transpose_lhs_hint = false} : vector<1024x128xf32>, vector<128x64xf32>, vector<1024x64xf32> -> vector<1024x64xf32>
    %mul3A = vector.broadcast %select_n3A : vector<1024x1xf32> to vector<1024x64xf32>
    %mul3A_14 = arith.mulf %dot_general3A_13, %mul3A : vector<1024x64xf32>
    %swap3A = arith.constant 0 : index
    %swap3A_15 = arith.constant 0 : index
    %swap3A_16 = vector.load %arg4[%swap3A, %swap3A_15] : memref<1024x64xf32, #tpu.memory_space<vmem>>, vector<1024x64xf32>
    tpu.vector_store %arg4[%swap3A, %swap3A_15], %mul3A_14 {strides = array<i32>} : memref<1024x64xf32, #tpu.memory_space<vmem>>, vector<1024x64xf32>,
    return
  }
  func.func @transform_0(%arg0: i32) -> (i32, i32) {
    %c0_i32 = arith.constant 0 : i32
    %c0_i32_0 = arith.constant 0 : i32
    return %arg0, %c0_i32 : i32, i32
  }
  func.func @transform_1(%arg0: i32) -> (i32, i32) {
    %c0_i32 = arith.constant 0 : i32
    %c0_i32_0 = arith.constant 0 : i32
    %c0_i32_1 = arith.constant 0 : i32
    return %c0_i32, %c0_i32_0 : i32, i32
  }
  func.func @transform_2(%arg0: i32) -> (i32, i32) {
    %c0_i32 = arith.constant 0 : i32
    %c0_i32_0 = arith.constant 0 : i32
    return %arg0, %c0_i32 : i32, i32
  }
  func.func @transform_3(%arg0: i32) -> (i32, i32) {
    %c0_i32 = arith.constant 0 : i32
    %c0_i32_0 = arith.constant 0 : i32
    return %arg0, %c0_i32 : i32, i32
  }
}

module attributes {stable_mosaic.version = 14 : i64} {
  func.func @_mid_body(%arg0: i32, %arg1: memref<2x1024x64xf32, #tpu.memory_space<vmem>>, %arg2: memref<1024x2xf32, #tpu.memory_space<vmem>>, %arg3: memref<1x64xf32, #tpu.memory_space<vmem>>, %arg4: memref<1024x64xf32, #tpu.memory_space<vmem>>) attributes {dimension_semantics = [#tpu.dimension_semantics<arbitrary>], iteration_bounds = array<i64: 10>, scalar_prefetch = 0 : i64, scratch_operands = 0 : i64, tpu.core_type = #tpu.core_type<tc>, window_params = [{transform_indices = @transform_0, window_bounds = array<i64: 2, 1024, 64>}, {transform_indices = @transform_1, window_bounds = array<i64: 1024, 2>}, {pipeline_mode = #tpu.pipeline_mode<synchronous>, transform_indices = @transform_2, window_bounds = array<i64: 1, 64>}, {transform_indices = @transform_3, window_bounds = array<i64: 1024, 64>}]} {
    %get3A = arith.constant 0 : index
    %get3A_0 = arith.constant 0 : index
    %get3A_1 = vector.load %arg2[%get3A, %get3A_0] : memref<1024x2xf32, #tpu.memory_space<vmem>>, vector<1024x1xf32>
    %get3A_2 = arith.constant 0 : index
    %get3A_3 = arith.constant 1 : index
    %get3A_4 = vector.load %arg2[%get3A_2, %get3A_3] : memref<1024x2xf32, #tpu.memory_space<vmem>>, vector<1024x1xf32>
    %add3A = arith.addf %get3A_1, %get3A_4 : vector<1024x1xf32>
    %gt3A = arith.constant 0.000000e+00 : f32
    %gt3A_5 = vector.broadcast %gt3A : f32 to vector<1024x1xf32>
    %gt3A_6 = arith.cmpf ogt, %add3A, %gt3A_5 : vector<1024x1xf32>
    %rsqrt3A = math.rsqrt %add3A : vector<1024x1xf32>
    %jit3A = arith.constant 0.000000e+00 : f32
    %broadcast_in_dim3A = vector.broadcast %jit3A : f32 to vector<1024x1xf32>
    %select_n3A = arith.select %gt3A_6, %rsqrt3A, %broadcast_in_dim3A : vector<1024x1xi1>, vector<1024x1xf32>
    %get3A_7 = arith.constant 0 : index
    %get3A_8 = arith.constant 0 : index
    %get3A_9 = arith.constant 0 : index
    %get3A_10 = vector.load %arg1[%get3A_7, %get3A_8, %get3A_9] : memref<2x1024x64xf32, #tpu.memory_space<vmem>>, vector<1x1024x64xf32>
    %get3A_11 = vector.shape_cast %get3A_10 : vector<1x1024x64xf32> to vector<1024x64xf32>
    %get3A_12 = arith.constant 1 : index
    %get3A_13 = arith.constant 0 : index
    %get3A_14 = arith.constant 0 : index
    %get3A_15 = vector.load %arg1[%get3A_12, %get3A_13, %get3A_14] : memref<2x1024x64xf32, #tpu.memory_space<vmem>>, vector<1x1024x64xf32>
    %get3A_16 = vector.shape_cast %get3A_15 : vector<1x1024x64xf32> to vector<1024x64xf32>
    %add3A_17 = arith.addf %get3A_11, %get3A_16 : vector<1024x64xf32>
    %mul3A = vector.broadcast %select_n3A : vector<1024x1xf32> to vector<1024x64xf32>
    %mul3A_18 = arith.mulf %add3A_17, %mul3A : vector<1024x64xf32>
    %get3A_19 = arith.constant 0 : index
    %get3A_20 = arith.constant 0 : index
    %get3A_21 = vector.load %arg3[%get3A_19, %get3A_20] : memref<1x64xf32, #tpu.memory_space<vmem>>, vector<1x64xf32>
    %add3A_22 = vector.broadcast %get3A_21 : vector<1x64xf32> to vector<1024x64xf32>
    %add3A_23 = arith.addf %mul3A_18, %add3A_22 : vector<1024x64xf32>
    %max3A = arith.constant 0.000000e+00 : f32
    %max3A_24 = vector.broadcast %max3A : f32 to vector<1024x64xf32>
    %max3A_25 = arith.maximumf %add3A_23, %max3A_24 : vector<1024x64xf32>
    %mul3A_26 = vector.broadcast %select_n3A : vector<1024x1xf32> to vector<1024x64xf32>
    %mul3A_27 = arith.mulf %max3A_25, %mul3A_26 : vector<1024x64xf32>
    %swap3A = arith.constant 0 : index
    %swap3A_28 = arith.constant 0 : index
    %swap3A_29 = vector.load %arg4[%swap3A, %swap3A_28] : memref<1024x64xf32, #tpu.memory_space<vmem>>, vector<1024x64xf32>
    tpu.vector_store %arg4[%swap3A, %swap3A_28], %mul3A_27 {strides = array<i32>} : memref<1024x64xf32, #tpu.memory_space<vmem>>, vector<1024x64xf32>,
    return
  }
  func.func @transform_0(%arg0: i32) -> (i32, i32, i32) {
    %c0_i32 = arith.constant 0 : i32
    %c0_i32_0 = arith.constant 0 : i32
    %c0_i32_1 = arith.constant 0 : i32
    return %c0_i32, %arg0, %c0_i32_0 : i32, i32, i32
  }
  func.func @transform_1(%arg0: i32) -> (i32, i32) {
    %c0_i32 = arith.constant 0 : i32
    %c0_i32_0 = arith.constant 0 : i32
    return %arg0, %c0_i32 : i32, i32
  }
  func.func @transform_2(%arg0: i32) -> (i32, i32) {
    %c0_i32 = arith.constant 0 : i32
    %c0_i32_0 = arith.constant 0 : i32
    %c0_i32_1 = arith.constant 0 : i32
    return %c0_i32, %c0_i32_0 : i32, i32
  }
  func.func @transform_3(%arg0: i32) -> (i32, i32) {
    %c0_i32 = arith.constant 0 : i32
    %c0_i32_0 = arith.constant 0 : i32
    return %arg0, %c0_i32 : i32, i32
  }
}

module attributes {stable_mosaic.version = 14 : i64} {
  func.func @_out_body(%arg0: i32, %arg1: memref<2x1024x64xf32, #tpu.memory_space<vmem>>, %arg2: memref<1024x2xf32, #tpu.memory_space<vmem>>, %arg3: memref<64x128xf32, #tpu.memory_space<vmem>>, %arg4: memref<1x128xf32, #tpu.memory_space<vmem>>, %arg5: memref<1024x128xf32, #tpu.memory_space<vmem>>) attributes {dimension_semantics = [#tpu.dimension_semantics<arbitrary>], iteration_bounds = array<i64: 10>, scalar_prefetch = 0 : i64, scratch_operands = 0 : i64, tpu.core_type = #tpu.core_type<tc>, window_params = [{transform_indices = @transform_0, window_bounds = array<i64: 2, 1024, 64>}, {transform_indices = @transform_1, window_bounds = array<i64: 1024, 2>}, {pipeline_mode = #tpu.pipeline_mode<synchronous>, transform_indices = @transform_2, window_bounds = array<i64: 64, 128>}, {pipeline_mode = #tpu.pipeline_mode<synchronous>, transform_indices = @transform_3, window_bounds = array<i64: 1, 128>}, {transform_indices = @transform_4, window_bounds = array<i64: 1024, 128>}]} {
    %get3A = arith.constant 0 : index
    %get3A_0 = arith.constant 0 : index
    %get3A_1 = vector.load %arg2[%get3A, %get3A_0] : memref<1024x2xf32, #tpu.memory_space<vmem>>, vector<1024x1xf32>
    %get3A_2 = arith.constant 0 : index
    %get3A_3 = arith.constant 1 : index
    %get3A_4 = vector.load %arg2[%get3A_2, %get3A_3] : memref<1024x2xf32, #tpu.memory_space<vmem>>, vector<1024x1xf32>
    %add3A = arith.addf %get3A_1, %get3A_4 : vector<1024x1xf32>
    %gt3A = arith.constant 0.000000e+00 : f32
    %gt3A_5 = vector.broadcast %gt3A : f32 to vector<1024x1xf32>
    %gt3A_6 = arith.cmpf ogt, %add3A, %gt3A_5 : vector<1024x1xf32>
    %rsqrt3A = math.rsqrt %add3A : vector<1024x1xf32>
    %jit3A = arith.constant 0.000000e+00 : f32
    %broadcast_in_dim3A = vector.broadcast %jit3A : f32 to vector<1024x1xf32>
    %select_n3A = arith.select %gt3A_6, %rsqrt3A, %broadcast_in_dim3A : vector<1024x1xi1>, vector<1024x1xf32>
    %get3A_7 = arith.constant 0 : index
    %get3A_8 = arith.constant 0 : index
    %get3A_9 = arith.constant 0 : index
    %get3A_10 = vector.load %arg1[%get3A_7, %get3A_8, %get3A_9] : memref<2x1024x64xf32, #tpu.memory_space<vmem>>, vector<1x1024x64xf32>
    %get3A_11 = vector.shape_cast %get3A_10 : vector<1x1024x64xf32> to vector<1024x64xf32>
    %get3A_12 = arith.constant 1 : index
    %get3A_13 = arith.constant 0 : index
    %get3A_14 = arith.constant 0 : index
    %get3A_15 = vector.load %arg1[%get3A_12, %get3A_13, %get3A_14] : memref<2x1024x64xf32, #tpu.memory_space<vmem>>, vector<1x1024x64xf32>
    %get3A_16 = vector.shape_cast %get3A_15 : vector<1x1024x64xf32> to vector<1024x64xf32>
    %add3A_17 = arith.addf %get3A_11, %get3A_16 : vector<1024x64xf32>
    %mul3A = vector.broadcast %select_n3A : vector<1024x1xf32> to vector<1024x64xf32>
    %mul3A_18 = arith.mulf %add3A_17, %mul3A : vector<1024x64xf32>
    %get3A_19 = arith.constant 0 : index
    %get3A_20 = arith.constant 0 : index
    %get3A_21 = vector.load %arg3[%get3A_19, %get3A_20] : memref<64x128xf32, #tpu.memory_space<vmem>>, vector<64x128xf32>
    %dot_general3A = arith.constant dense<0.000000e+00> : vector<1024x128xf32>
    %dot_general3A_22 = tpu.matmul %mul3A_18, %get3A_21, %dot_general3A {dimension_numbers = #tpu.dot_dimension_numbers<[1], [0], [0], [1], [0, 0, 1, 1], [], []>, transpose_lhs_hint = false} : vector<1024x64xf32>, vector<64x128xf32>, vector<1024x128xf32> -> vector<1024x128xf32>
    %get3A_23 = arith.constant 0 : index
    %get3A_24 = arith.constant 0 : index
    %get3A_25 = vector.load %arg4[%get3A_23, %get3A_24] : memref<1x128xf32, #tpu.memory_space<vmem>>, vector<1x128xf32>
    %add3A_26 = vector.broadcast %get3A_25 : vector<1x128xf32> to vector<1024x128xf32>
    %add3A_27 = arith.addf %dot_general3A_22, %add3A_26 : vector<1024x128xf32>
    %reduce_max3A = arith.constant dense<0xFF800000> : vector<1024xf32>
    %reduce_max3A_28 = vector.multi_reduction <maximumf>, %add3A_27, %reduce_max3A [1] : vector<1024x128xf32> to vector<1024xf32>
    %broadcast_in_dim3A_29 = vector.shape_cast %reduce_max3A_28 : vector<1024xf32> to vector<1024x1xf32>
    %sub3A = vector.broadcast %broadcast_in_dim3A_29 : vector<1024x1xf32> to vector<1024x128xf32>
    %sub3A_30 = arith.subf %add3A_27, %sub3A : vector<1024x128xf32>
    %exp3A = math.exp %sub3A_30 : vector<1024x128xf32>
    %reduce_sum3A = arith.constant dense<0.000000e+00> : vector<1024xf32>
    %reduce_sum3A_31 = vector.multi_reduction <add>, %exp3A, %reduce_sum3A [1] : vector<1024x128xf32> to vector<1024xf32>
    %broadcast_in_dim3A_32 = vector.shape_cast %reduce_sum3A_31 : vector<1024xf32> to vector<1024x1xf32>
    %log3A = math.log %broadcast_in_dim3A_32 : vector<1024x1xf32>
    %add3A_33 = arith.addf %broadcast_in_dim3A_29, %log3A : vector<1024x1xf32>
    %sub3A_34 = vector.broadcast %add3A_33 : vector<1024x1xf32> to vector<1024x128xf32>
    %sub3A_35 = arith.subf %add3A_27, %sub3A_34 : vector<1024x128xf32>
    %swap3A = arith.constant 0 : index
    %swap3A_36 = arith.constant 0 : index
    %swap3A_37 = vector.load %arg5[%swap3A, %swap3A_36] : memref<1024x128xf32, #tpu.memory_space<vmem>>, vector<1024x128xf32>
    tpu.vector_store %arg5[%swap3A, %swap3A_36], %sub3A_35 {strides = array<i32>} : memref<1024x128xf32, #tpu.memory_space<vmem>>, vector<1024x128xf32>,
    return
  }
  func.func @transform_0(%arg0: i32) -> (i32, i32, i32) {
    %c0_i32 = arith.constant 0 : i32
    %c0_i32_0 = arith.constant 0 : i32
    %c0_i32_1 = arith.constant 0 : i32
    return %c0_i32, %arg0, %c0_i32_0 : i32, i32, i32
  }
  func.func @transform_1(%arg0: i32) -> (i32, i32) {
    %c0_i32 = arith.constant 0 : i32
    %c0_i32_0 = arith.constant 0 : i32
    return %arg0, %c0_i32 : i32, i32
  }
  func.func @transform_2(%arg0: i32) -> (i32, i32) {
    %c0_i32 = arith.constant 0 : i32
    %c0_i32_0 = arith.constant 0 : i32
    %c0_i32_1 = arith.constant 0 : i32
    return %c0_i32, %c0_i32_0 : i32, i32
  }
  func.func @transform_3(%arg0: i32) -> (i32, i32) {
    %c0_i32 = arith.constant 0 : i32
    %c0_i32_0 = arith.constant 0 : i32
    %c0_i32_1 = arith.constant 0 : i32
    return %c0_i32, %c0_i32_0 : i32, i32
  }
  func.func @transform_4(%arg0: i32) -> (i32, i32) {
    %c0_i32 = arith.constant 0 : i32
    %c0_i32_0 = arith.constant 0 : i32
    return %arg0, %c0_i32 : i32, i32
  }
}

</mosaic_0001>

<sc_bundles>
// kernel: kernel.11.cloned.1.call-start
scs
__scs_entry_jumppad:
0x0: {  	(pc) =	sbr.rel $0x88, $3  }
0x1: {  	(tag) =	ssettag $0x0;
	lr =	simm.s32 $0x1  }
0x2: {  	[smem:$0x3F9B] =	sst lr;
	_ =	strace $0xD0000000  }
0x3: {  	_ = 	snop  }
0x4: {  	_ = 	snop  }
0x5: {  	_ = 	snop  }
0x6: {  	_ = 	snop  }
0x7: {  	_ = 	snop  }
__scs_overlays_trampoline_lowered:
0x8: {  	[smem:$0x3FAA] =	sst s0  }
0x9: {  	[smem:$0x3FAB] =	sst s1  }
0xa: {  	[smem:$0x3FAC] =	sst s2  }
0xb: {  	[smem:$0x3FAD] =	sst s3  }
0xc: {  	[smem:$0x3FAE] =	sst s4  }
0xd: {  	[smem:$0x3FAF] =	sst s5  }
0xe: {  	[smem:$0x3FB0] =	sst s6  }
0xf: {  	[smem:$0x3FB1] =	sst s7  }
0x10: {  	[smem:$0x3FB2] =	sst s8  }
0x11: {  	[smem:$0x3FB3] =	sst s9;
	s0 =	simm.s32 @!p0 $0x0  }
0x12: {  	s1 =	sld [smem:$0x3F99];
	s0 =	simm.s32 @p0 $0x1  }
0x13: {  	[smem:$0x3FB4] =	sst s0;
	s0 =	simm.s32 @!p1 $0x0  }
0x14: {  	s2 =	sld [smem:$0x3F98];
	s0 =	simm.s32 @p1 $0x1  }
0x15: {  	[smem:$0x3FB5] =	sst s0;
	s0 =	simm.s32 @!p2 $0x0  }
0x16: {  	s3 =	sld [smem:$0x3FDB];
	s0 =	simm.s32 @p2 $0x1  }
0x17: {  	s4 =	simm.s32 $0x1BF5;
	[smem:$0x3FB7] =	sst s0  }
0x18: {  	s0 =	sld [smem:$0x3F9A];
	_ =	swait.ge [sflag:s4], $0x0  }
0x19: {  	s7 =	sld [smem:$0x3F9B]  }
0x1a: {  	s8 =	sadd.s32 $0xFFFFE003, lr  }
0x1b: {  	s9 =	sadd.s32 $0xFFFFFEF7, lr;
	s5 =	simm.s32 $0xFFFFFFFF;
	p2 =	slt.u32 s8, $0xFFFFF086  }
0x1c: {  	p1 =	slt.u32 s9, $0xF7A;
	s5 =	simm.s32 @!p2 $0x0  }
0x1d: {  	s5 =	simm.s32 @p1 $0x1;
	p0 =	seq.s32 s7, s2  }
0x1e: {  	s7 =	smul.u32 @!p0 $0xF7A, s2;
	p2 =	seq.s32 @!p0 s5, $0x0  }
0x1f: {  	s9 =	smul.u32 $0xF7A, s1;
	s8 =	simm.s32 @!p0 $0x1BF5;
	p2 =	por !p2, p0  }
0x20: {  	[sflag:s8] =	ssyncset.s32 @!p0 $0xFFFFF086;
	s6 =	sadd.s32 @!p0 s3, s7;
	s7 =	simm.s32 @!p0 $0x108  }
0x21: {  	s3 =	sadd.s32 s3, s9;
	s6 =	sadd.s32 @!p0 $0x88, s6;
	s7 =	simm.s32 @p2 $0x1082  }
0x22: {  	[simem:s7], [sflag:s8] =	dma.local @!p0 [hbm:s6], $0xF7A  }
0x23: {  	s9 =	sor.u32 $0xD0000000, s2;
	s6 =	simm.s32 $0x108;
	_ =	swait.ge @!p0 [sflag:s8], $0x0  }
0x24: {  	s3 =	sadd.s32 $0x88, s3;
	s6 =	simm.s32 @!p1 $0x1082;
	[sflag:s4] =	ssyncset.s32 $0xFFFFF086  }
0x25: {  	[simem:s6], [sflag:s4] =	dma.local [hbm:s3], $0xF7A  }
0x26: {  	[smem:$0x3F9B] =	sst s1;
	(tag) =	ssettag s2;
	_ =	strace s9  }
0x27: {  	s1 =	sld [smem:$0x3FAB]  }
0x28: {  	s2 =	sld [smem:$0x3FAC]  }
0x29: {  	s4 =	sld [smem:$0x3FAE]  }
0x2a: {  	p0 =	seq.s32 s5, $0x0;
	s5 =	sld [smem:$0x3FAF]  }
0x2b: {  	s6 =	sld [smem:$0x3FB0]  }
0x2c: {  	s7 =	sld [smem:$0x3FB1]  }
0x2d: {  	s3 =	simm.s32 $0x108;
	s8 =	sld [smem:$0x3FB2]  }
0x2e: {  	s3 =	simm.s32 @!p0 $0x1082;
	s9 =	sld [smem:$0x3FB3]  }
0x2f: {  	lr =	sadd.s32 s0, s3;
	s0 =	sld [smem:$0x3FAA]  }
0x30: {  	s3 =	sld [smem:$0x3FAD]  }
0x31: {  	[smem:$0x3FB6] =	sst s10  }
0x32: {  	s10 =	sld [smem:$0x3FB4];
	_ =	sdelay $0x3  }
0x33: {  	p0 =	seq.s32 s10, $0x1;
	s10 =	sld [smem:$0x3FB6];
	_ =	sdelay $0x3  }
0x34: {  	[smem:$0x3FB6] =	sst s10  }
0x35: {  	s10 =	sld [smem:$0x3FB5];
	_ =	sdelay $0x3  }
0x36: {  	p1 =	seq.s32 s10, $0x1;
	s10 =	sld [smem:$0x3FB6];
	_ =	sdelay $0x3  }
0x37: {  	[smem:$0x3FB6] =	sst s10  }
0x38: {  	s10 =	sld [smem:$0x3FB7]  }
0x39: {  	_ = 	snop;
	(pc) =	sbr.ind lr, $3  }
0x3a: {  	_ = 	snop  }
0x3b: {  	_ = 	snop  }
0x3c: {  	p2 =	seq.s32 s10, $0x1;
	s10 =	sld [smem:$0x3FB6]  }
0x3d: {  	_ =	shalt  }
0x3e: {  	_ =	shalt  }
0x3f: {  	_ =	shalt  }
0x40: {  	_ =	shalt  }
0x41: {  	_ =	shalt  }
0x42: {  	_ =	shalt  }
0x43: {  	_ =	shalt  }
0x44: {  	_ =	shalt  }
0x45: {  	_ =	shalt  }
0x46: {  	_ =	shalt  }
0x47: {  	_ =	shalt  }
0x48: {  	_ =	shalt  }
0x49: {  	_ =	shalt  }
0x4a: {  	_ =	shalt  }
0x4b: {  	_ =	shalt  }
0x4c: {  	_ =	shalt  }
0x4d: {  	_ =	shalt  }
0x4e: {  	_ =	shalt  }
0x4f: {  	_ =	shalt  }
0x50: {  	_ =	shalt  }
0x51: {  	_ =	shalt  }
0x52: {  	_ =	shalt  }
0x53: {  	_ =	shalt  }
0x54: {  	_ =	shalt  }
0x55: {  	_ =	shalt  }
0x56: {  	_ =	shalt  }
0x57: {  	_ =	shalt  }
0x58: {  	_ =	shalt  }
0x59: {  	_ =	shalt  }
0x5a: {  	_ =	shalt  }
0x5b: {  	_ =	shalt  }
0x5c: {  	_ =	shalt  }
0x5d: {  	_ =	shalt  }
0x5e: {  	_ =	shalt  }
0x5f: {  	_ =	shalt  }
0x60: {  	_ =	shalt  }
0x61: {  	_ =	shalt  }
0x62: {  	_ =	shalt  }
0x63: {  	_ =	shalt  }
0x64: {  	_ =	shalt  }
0x65: {  	_ =	shalt  }
0x66: {  	_ =	shalt  }
0x67: {  	_ =	shalt  }
0x68: {  	_ =	shalt  }
0x69: {  	_ =	shalt  }
0x6a: {  	_ =	shalt  }
0x6b: {  	_ =	shalt  }
0x6c: {  	_ =	shalt  }
0x6d: {  	_ =	shalt  }
0x6e: {  	_ =	shalt  }
0x6f: {  	_ =	shalt  }
0x70: {  	_ =	shalt  }
0x71: {  	_ =	shalt  }
0x72: {  	_ =	shalt  }
0x73: {  	_ =	shalt  }
0x74: {  	_ =	shalt  }
0x75: {  	_ =	shalt  }
0x76: {  	_ =	shalt  }
0x77: {  	_ =	shalt  }
0x78: {  	_ =	shalt  }
0x79: {  	_ =	shalt  }
0x7a: {  	_ =	shalt  }
0x7b: {  	_ =	shalt  }
0x7c: {  	_ =	shalt  }
0x7d: {  	_ =	shalt  }
0x7e: {  	_ =	shalt  }
0x7f: {  	_ =	shalt  }
0x80: {  	_ =	shalt  }
0x81: {  	_ =	shalt  }
0x82: {  	_ =	shalt  }
0x83: {  	_ =	shalt  }
0x84: {  	_ =	shalt  }
0x85: {  	_ =	shalt  }
0x86: {  	_ =	shalt  }
0x87: {  	_ =	shalt  }
.Lfunc_end0:
.L_simem_size_0:
called_computation.1_lowered:
.L_overlay_start_0:
0x88: {  	s2 =	sld [smem:$0x3FD9]  }
0x89: {  	s3 =	sld [smem:$0x3FFE];
	_ =	sdelay $0x1  }
0x8a: {  	s1 =	srdreg.scid  }
0x8b: {  	s0 =	sand.u32 $0x1, s1  }
0x8c: {  	s17 =	sshll.u32 s0, $0xA;
	s2 =	sadd.s32 s3, s2  }
0x8d: {  	s2 =	sadd.s32 s2, s17  }
0x8e: {  	[smem:$0x3FC2] =	sst s2  }
0x8f: {  	_ = 	snop  }
0x90: {  	s2 =	sld [smem:$0x3FD0];
	(tm) =	ssettm $0x1  }
0x91: {  	s18 =	sld [smem:$0x3FFB];
	_ =	sdelay $0x3  }
0x92: {  	_ =	strace s18  }
0x93: {  	s3 =	sld [smem:$0x3FFC];
	_ =	sdelay $0x3  }
0x94: {  	_ =	strace s3  }
0x95: {  	s3 =	sld [smem:$0x3FFD];
	_ =	sdelay $0x3  }
0x96: {  	_ =	strace s3  }
0x97: {  	_ =	strace $0x8FFFFFFF  }
0x98: {  	s19 =	sld [smem:$0x3FDB];
	_ =	sdelay $0x1  }
0x99: {  	s4 =	simm.s32 $_scs_section_size  }
0x9a: {  	s5 =	simm.s32 $_size__tile_overlayer_lowered;
	s6 =	simm.s32 $_tile_overlayer_lowered  }
0x9b: {  	s22 =	simm.s32 $0x1BFF;
	s21 =	sshll.u32 s6, $0x1;
	s3 =	sadd.s32 s4, s19  }
0x9c: {  	s7 =	simm.s32 $0x0;
	s20 =	sshll.u32 s5, $0x1;
	s5 =	sadd.s32 s21, s3  }
0x9d: {  	[timem:s7], [sflag:s22] =	dma.local [hbm:s5], s20  }
0x9e: {  	_ =	swait.ge [sflag:s22], s20  }
0x9f: {  	s4 =	ssub.s32 $0x0, s20;
	[sflag:s22] =	ssyncset.done $0x0  }
0xa0: {  	[sflag:s22] =	ssyncadd.s32 s4;
	_ =	sdelay $0x1  }
0xa1: {  	s23 =	simm.s32 $0x1B8B  }
0xa2: {  	_ =	swait.ge [sflag:s23], $0x1  }
0xa3: {  	[sflag:s23] =	ssyncset.done $0x0  }
0xa4: {  	s25 =	simm.s32 $0x1B8E;
	s24 =	sld [smem:$0x3FFE];
	[sflag:s23] =	ssyncadd.s32 $0xFFFFFFFF  }
0xa5: {  	s26 =	simm.s32 $execute0_lowered;
	[smem:$0x3FD2] =	sst s25  }
0xa6: {  	s5 =	sshll.u32 s26, $0x1;
	_ =	strace $0x80000049;
	[dreg:$0x1] =	wrdreg $0xFFFFFFFF  }
0xa7: {  	s28 =	simm.s32 $_size_execute0_lowered;
	s3 =	sadd.s32 s3, s5;
	[dreg:$0x0] =	wrdreg $0x0  }
0xa8: {  	s5 =	sshll.u32 s28, $0x1;
	[dreg:$0x2] =	wrdreg s3  }
0xa9: {  	[dreg:$0x3] =	wrdreg s5  }
0xaa: {  	[dreg:$0x4] =	wrdreg $0xC0  }
0xab: {  	_ =	task [dreg:s7], $0x5FFFF  }
0xac: {  	[dreg:$0x1] =	wrdreg $0xFFFFFFFF  }
0xad: {  	[dreg:$0x0] =	wrdreg $0x60  }
0xae: {  	[dreg:$0x2] =	wrdreg s2  }
0xaf: {  	[dreg:$0x3] =	wrdreg s24  }
0xb0: {  	[dreg:$0x4] =	wrdreg $0x11E000  }
0xb1: {  	[dreg:$0x5] =	wrdreg $0x9  }
0xb2: {  	_ =	task.clear_ibuf [dreg:s7], $0x6FFFF;
	_ =	strace $0x90000049  }
0xb3: {  	s29 =	simm.s32 $0x9;
	_ =	strace $0x8000004B  }
0xb4: {  	_ =	swait.ge [sflag:s29], $0x1  }
0xb5: {  	[sflag:s29] =	ssyncadd.s32 $0xFFFFFFFF  }
0xb6: {  	_ =	strace $0x9000004B  }
0xb7: {  	_ =	sfence  }
0xb8: {  	s30 =	sld [smem:$0x0];
	_ =	sdelay $0x2  }
0xb9: {  	s31 =	sshll.u32 s1, $0xD;
	s1 =	sshrl.u32 s1, $0x2  }
0xba: {  	s3 =	sand.u32 $0x4000, s31;
	s1 =	sadd.s32 s1, s30  }
0xbb: {  	s0 =	sor.u32 s3, s0;
	s1 =	sshll.u32 s1, $0x11  }
0xbc: {  	s0 =	sor.u32 s1, s0  }
0xbd: {  	s0 =	sadd.s32 $0x8F2B, s0  }
0xbe: {  	[sflag:s0] =	ssyncadd.remote.s32 $0x1  }
0xbf: {  	_ =	sfence.sel $0xFFFF  }
0xc0: {  	[dreg:$0x0] =	wrdreg $0xFFFFFFFF;
	(pc) =	sbr.abs _section_cstart, $3  }
0xc1: {  	[dreg:$0x1] =	wrdreg $0xFFFFFFFF  }
0xc2: {  	_ =	task.clear_ibuf [dreg:s7], $0x2FFFF;
	_ =	strace $0x9FFFFFFF  }
0xc3: {  	(tm) =	ssettm $0x7FFFFFFF  }
tec
execute0_lowered:
.L_overlay_start_1:
0x0: {  	(tag) =	ssettag $0x1  }
0x1: {  	s2 =	rddreg [dreg:$0x0]  }
0x2: {  	s6 =	rddreg [dreg:$0x1]  }
0x3: {  	s3 =	rddreg [dreg:$0x2];
	s1 =	stileid.u32  }
0x4: {  	s0 =	rddreg [dreg:$0x3];
	s7 =	srdreg.scid;
	s4 =	simm.s32 $0x0  }
0x5: {  	s14 =	simm.s32 $0x4A00;
	s15 =	simm.s32 $0xDE00;
	s16 =	simm.s32 $0x4A80  }
0x6: {  	s17 =	simm.s32 $0xFE00;
	s18 =	simm.s32 $0x1;
	s19 =	simm.s32 $0x2  }
0x7: {  	s20 =	simm.s32 $0x3;
	s21 =	simm.s32 $0x4;
	s5 =	smul.u32 $0x94, s1  }
0x8: {  	s22 =	simm.s32 $0x0;
	s8 =	smul.u32 $0xC, s1;
	s7 =	sand.u32 $0x1, s7  }
0x9: {  	s9 =	smul.u32 $0xA000, s1;
	[smem:$0x7FF] =	sst s4;
	s31 =	sshll.u32 s1, $0x6  }
0xa: {  	p0 =	seq.s32 s7, $0x0;
	s10 =	smul.u32 $0xA0000, s7;
	s7 =	ssub.s32 $0x2, s7  }
0xb: {  	_ =	strace $0x8000004A;
	s8 =	sadd.s32 $0x940, s8;
	s30 =	sshrl.u32 s7, $0x1  }
0xc: {  	s13 =	sadd.s32 s9, s3;
	s8 =	smov.u32 @p0 s5;
	s28 =	sadd.s32 s9, s10  }
0xd: {  	s12 =	ssub.s32 s7, s30;
	s7 =	sor.u32 $0x1C05, s31;
	s5 =	sshll.u32 s8, $0x4  }
0xe: {  	s8 =	sshrl.u32 s28, $0x3;
	s10 =	smax.u32 s12, $0x1;
	s29 =	sadd.s32 s5, s6  }
0xf: {  	s5 =	sadd.s32 $0xC400, s6;
	s11 =	sadd.s32 s8, s6;
	s6 =	simm.s32 $0x49  }
0x10: {  	s12 =	simm.s32 $0x5;
	s6 =	simm.s32 @!p0 $0x5;
	s8 =	sadd.s32 $0x1A00, s29  }
0x11: {  	s9 =	sadd.s32 $0xD800, s11;
	s11 =	sshrl.u32 s13, $0x3;
	s13 =	simm.s32 $0x80  }
.LBB2_1:
0x12: {  	[spmem:s11], [sflag:s7] =	dma.local [hbm:s5], $0x1400  }
0x13: {  	_ =	swait.ge [sflag:s12], $0x1400  }
0x14: {  	[sflag:s12] =	ssyncset.done $0x0  }
0x15: {  	[sflag:s12] =	ssyncadd.s32 $0xFFFFEC00  }
0x16: {  	[tilespmem:s4], [sflag:$0x5] =	stream.linear.gather [hbm4b:s8+s4], $0x4A00, $0x38;
	[tilespmem:$0x1BE00] =	vst v63  }
0x17: {  	_ =	swait.ge [sflag:s12], $0x4A00  }
0x18: {  	[sflag:s12] =	ssyncset.done $0x0  }
0x19: {  	s23 =	simm.s32 $0x0;
	[sflag:s12] =	ssyncadd.s32 $0xFFFFB600  }
0x1a: {  	v0 =	vld [tilespmem:s23+$0x70]  }
0x1b: {  	v1 =	vld [tilespmem:s23+$0x0];
	_ =	sdelay $0x1  }
0x1c: {  	v2 =	vld [tilespmem:s23+$0x10]  }
0x1d: {  	v5 =	vld [tilespmem:s23+$0x40]  }
0x1e: {  	v6 =	vshrl.u32 v0, $0x10  }
0x1f: {  	v3 =	vld [tilespmem:s23+$0x20];
	v8 =	vand.u32 $0xFFFF, v1;
	[tilespmem:s23+$0x9470] =	vst v6  }
0x20: {  	v1 =	vshrl.u32 v1, $0x10;
	[tilespmem:s23+$0x4A00] =	vst v8  }
0x21: {  	v4 =	vld [tilespmem:s23+$0x30];
	v62 =	vand.u32 $0xFFFF, v2;
	[tilespmem:s23+$0x9400] =	vst v1  }
0x22: {  	v7 =	vld [tilespmem:s23+$0x50];
	v63 =	vand.u32 $0xFFFF, v5;
	[tilespmem:s23+$0x4A10] =	vst v62  }
0x23: {  	v6 =	vld [tilespmem:s23+$0x60];
	v1 =	vshrl.u32 v2, $0x10;
	[tilespmem:s23+$0x4A40] =	vst v63  }
0x24: {  	v2 =	vand.u32 $0xFFFF, v3;
	[tilespmem:s23+$0x9410] =	vst v1  }
0x25: {  	v1 =	vshrl.u32 v3, $0x10;
	[tilespmem:s23+$0x4A20] =	vst v2  }
0x26: {  	v0 =	vand.u32 $0xFFFF, v0;
	v2 =	vand.u32 $0xFFFF, v4;
	[tilespmem:s23+$0x9420] =	vst v1  }
0x27: {  	v5 =	vshrl.u32 v5, $0x10;
	v3 =	vshrl.u32 v7, $0x10;
	v1 =	vshrl.u32 v4, $0x10;
	[tilespmem:s23+$0x4A30] =	vst v2  }
0x28: {  	s24 =	simm.s32 $0x80;
	s25 =	simm.s32 $0x400;
	v4 =	vand.u32 $0xFFFF, v7;
	[tilespmem:s23+$0x9430] =	vst v1;
	v2 =	vand.u32 $0xFFFF, v6;
	v1 =	vshrl.u32 v6, $0x10  }
.LBB2_2:
0x29: {  	p0 =	sne.s32 s25, $0x12600;
	v6 =	vld [tilespmem:s24+$0x70];
	[tilespmem:s23+$0x9440] =	vst v5  }
0x2a: {  	v5 =	vld [tilespmem:s24+$0x0];
	[tilespmem:s23+$0x4A50] =	vst v4  }
0x2b: {  	v4 =	vld [tilespmem:s24+$0x10];
	[tilespmem:s23+$0x9450] =	vst v3  }
0x2c: {  	v3 =	vld [tilespmem:s24+$0x20];
	[tilespmem:s23+$0x4A60] =	vst v2  }
0x2d: {  	v2 =	vld [tilespmem:s24+$0x30];
	[tilespmem:s23+$0x9460] =	vst v1  }
0x2e: {  	v1 =	vld [tilespmem:s24+$0x40];
	v7 =	vshrl.u32 v6, $0x10;
	[tilespmem:s23+$0x4A70] =	vst v0;
	v0 =	vand.u32 $0xFFFF, v6;
	s23 =	smov.u32 s24  }
0x2f: {  	v6 =	vand.u32 $0xFFFF, v5;
	v5 =	vshrl.u32 v5, $0x10;
	v8 =	vld [tilespmem:s23+$0x50];
	[tilespmem:s23+$0x9470] =	vst v7  }
0x30: {  	[tilespmem:s23+$0x4A00] =	vst v6;
	v6 =	vand.u32 $0xFFFF, v4;
	v4 =	vshrl.u32 v4, $0x10;
	v7 =	vld [tilespmem:s23+$0x60]  }
0x31: {  	[tilespmem:s23+$0x9400] =	vst v5;
	v9 =	vand.u32 $0xFFFF, v3;
	v10 =	vshrl.u32 v3, $0x10  }
0x32: {  	[tilespmem:s23+$0x4A10] =	vst v6;
	v6 =	vand.u32 $0xFFFF, v2;
	v11 =	vshrl.u32 v2, $0x10  }
0x33: {  	[tilespmem:s23+$0x9410] =	vst v4;
	v12 =	vand.u32 $0xFFFF, v1;
	v5 =	vshrl.u32 v1, $0x10  }
.Ltmp0:
0x34: {  	[tilespmem:s23+$0x4A20] =	vst v9;
	v4 =	vand.u32 $0xFFFF, v8;
	v3 =	vshrl.u32 v8, $0x10;
	(pc) =	sbr.rel @p0 .LBB2_2-.Ltmp0, $4  }
0x35: {  	[tilespmem:s23+$0x9420] =	vst v10;
	v2 =	vand.u32 $0xFFFF, v7;
	v1 =	vshrl.u32 v7, $0x10  }
0x36: {  	[tilespmem:s23+$0x4A30] =	vst v6  }
0x37: {  	[tilespmem:s23+$0x9430] =	vst v11  }
0x38: {  	s24 =	sshra.s32 s25, $0x2;
	s25 =	sadd.s32 $0x200, s25;
	[tilespmem:s23+$0x4A40] =	vst v12  }
0x39: {  	v6 =	vld [tilespmem:s24+$0x70];
	[tilespmem:s23+$0x9440] =	vst v5  }
0x3a: {  	v5 =	vld [tilespmem:s24+$0x0];
	[tilespmem:s23+$0x4A50] =	vst v4  }
0x3b: {  	v4 =	vld [tilespmem:s24+$0x10];
	[tilespmem:s23+$0x9450] =	vst v3  }
0x3c: {  	v3 =	vld [tilespmem:s24+$0x20];
	[tilespmem:s23+$0x4A60] =	vst v2  }
0x3d: {  	v2 =	vld [tilespmem:s24+$0x30];
	[tilespmem:s23+$0x9460] =	vst v1  }
0x3e: {  	v1 =	vld [tilespmem:s24+$0x40];
	[tilespmem:s23+$0x4A70] =	vst v0;
	v48 =	vshrl.u32 v6, $0x10  }
0x3f: {  	v63 =	vand.u32 $0xFFFF, v6;
	[tilespmem:s24+$0x9470] =	vst v48  }
0x40: {  	v8 =	vand.u32 $0xFFFF, v5;
	[tilespmem:s24+$0x4A70] =	vst v63  }
0x41: {  	v49 =	vshrl.u32 v5, $0x10;
	[tilespmem:s24+$0x4A00] =	vst v8  }
0x42: {  	v51 =	vand.u32 $0xFFFF, v4;
	[tilespmem:s24+$0x9400] =	vst v49  }
0x43: {  	v52 =	vshrl.u32 v4, $0x10;
	[tilespmem:s24+$0x4A10] =	vst v51  }
0x44: {  	v53 =	vand.u32 $0xFFFF, v3;
	[tilespmem:s24+$0x9410] =	vst v52  }
0x45: {  	v7 =	vld [tilespmem:s24+$0x50];
	v54 =	vshrl.u32 v3, $0x10;
	[tilespmem:s24+$0x4A20] =	vst v53  }
0x46: {  	v55 =	vand.u32 $0xFFFF, v2;
	[tilespmem:s24+$0x9420] =	vst v54  }
0x47: {  	v50 =	vld [tilespmem:s24+$0x60];
	v56 =	vshrl.u32 v2, $0x10;
	[tilespmem:s24+$0x4A30] =	vst v55  }
0x48: {  	v57 =	vand.u32 $0xFFFF, v1;
	[tilespmem:s24+$0x9430] =	vst v56  }
0x49: {  	v58 =	vshrl.u32 v1, $0x10;
	[tilespmem:s24+$0x4A40] =	vst v57  }
0x4a: {  	v59 =	vand.u32 $0xFFFF, v7;
	[tilespmem:s24+$0x9440] =	vst v58  }
0x4b: {  	v60 =	vshrl.u32 v7, $0x10;
	[tilespmem:s24+$0x4A50] =	vst v59  }
0x4c: {  	v61 =	vand.u32 $0xFFFF, v50;
	[tilespmem:s24+$0x9450] =	vst v60  }
0x4d: {  	v62 =	vshrl.u32 v50, $0x10;
	[tilespmem:s24+$0x4A60] =	vst v61  }
0x4e: {  	[tilespmem:s24+$0x9460] =	vst v62  }
0x4f: {  	[bflag:$0x0] =	sbarrier.arrive $0xFFFF  }
0x50: {  	[tilespmem:s15], [sflag:$0x1] =	stream.indirect.gather [hbm4b:s2+s13], $0x40, s14, s13, $0xb8;
	[tilespmem:$0x1BE00] =	vst v63  }
0x51: {  	_ = 	snop  }
0x52: {  	[tilespmem:s17], [sflag:$0x2] =	stream.indirect.gather [hbm4b:s2+s13], $0x40, s16, s13, $0xb8;
	[tilespmem:$0x1BE00] =	vst v63  }
0x53: {  	_ =	swait.ge [sflag:s18], $0x2000  }
0x54: {  	[sflag:s18] =	ssyncset.done $0x0  }
0x55: {  	s30 =	simm.s32 $0x9400;
	[sflag:s18] =	ssyncadd.s32 $0xFFFFE000  }
0x56: {  	[spmem:s3] =	stream.indirect.scatter.add.f32 [tilespmem:s15], [sflag:$0x3], $0x40, s30, s13, $0xb8;
	[tilespmem:$0x1BE00] =	vst v63  }
0x57: {  	_ =	swait.ge [sflag:s19], $0x2000  }
0x58: {  	[sflag:s19] =	ssyncset.done $0x0  }
0x59: {  	s25 =	simm.s32 $0x9480;
	[sflag:s19] =	ssyncadd.s32 $0xFFFFE000  }
0x5a: {  	[spmem:s3] =	stream.indirect.scatter.add.f32 [tilespmem:s17], [sflag:$0x4], $0x40, s25, s13, $0xb8;
	[tilespmem:$0x1BE00] =	vst v63  }
0x5b: {  	_ =	swait.ge [sflag:s20], $0x2000  }
0x5c: {  	p0 =	sne.s32 s6, $0x1;
	[sflag:s20] =	ssyncset.done $0x0  }
.Ltmp1:
0x5d: {  	s31 =	simm.s32 $0x4B00;
	[sflag:s20] =	ssyncadd.s32 $0xFFFFE000;
	(pc) =	sbr.rel @!p0 .LBB2_5-.Ltmp1, $4  }
0x5e: {  	[tilespmem:s15], [sflag:$0x1] =	stream.indirect.gather [hbm4b:s2+s13], $0x40, s31, s13, $0xb8;
	[tilespmem:$0x1BE00] =	vst v63  }
0x5f: {  	s29 =	simm.s32 $0x4B80;
	_ =	swait.ge [sflag:s21], $0x2000  }
0x60: {  	s28 =	simm.s32 $0x9580;
	s26 =	simm.s32 $0x4B80;
	[sflag:s21] =	ssyncset.done $0x0  }
0x61: {  	s23 =	simm.s32 $0x4C80;
	s24 =	simm.s32 $0x1;
	[sflag:s21] =	ssyncadd.s32 $0xFFFFE000  }
.LBB2_4:
0x62: {  	s26 =	smov.u32 s23;
	s25 =	smov.u32 s28  }
0x63: {  	[tilespmem:s17], [sflag:$0x2] =	stream.indirect.gather [hbm4b:s2+s13], $0x40, s29, s13, $0xb8;
	[tilespmem:$0x1BE00] =	vst v63  }
0x64: {  	s24 =	sadd.s32 $0x1, s24;
	s29 =	smov.u32 s23;
	_ =	swait.ge [sflag:s18], $0x2000  }
0x65: {  	p0 =	sne.s32 s6, s24;
	[sflag:s18] =	ssyncset.done $0x0  }
0x66: {  	s30 =	sadd.s32 $0xFFFFFF80, s28;
	[sflag:s18] =	ssyncadd.s32 $0xFFFFE000  }
0x67: {  	[spmem:s3] =	stream.indirect.scatter.add.f32 [tilespmem:s15], [sflag:$0x3], $0x40, s30, s13, $0xb8;
	[tilespmem:$0x1BE00] =	vst v63  }
0x68: {  	_ =	swait.ge [sflag:s19], $0x2000  }
0x69: {  	[sflag:s19] =	ssyncset.done $0x0  }
0x6a: {  	[sflag:s19] =	ssyncadd.s32 $0xFFFFE000  }
0x6b: {  	[spmem:s3] =	stream.indirect.scatter.add.f32 [tilespmem:s17], [sflag:$0x4], $0x40, s28, s13, $0xb8;
	[tilespmem:$0x1BE00] =	vst v63  }
0x6c: {  	_ =	swait.ge [sflag:s20], $0x2000  }
0x6d: {  	[sflag:s20] =	ssyncset.done $0x0  }
.Ltmp2:
0x6e: {  	s30 =	sadd.s32 $0xFFFFFF80, s23;
	[sflag:s20] =	ssyncadd.s32 $0xFFFFE000;
	(pc) =	sbr.rel @p0 .LBB2_4-.Ltmp2, $4  }
0x6f: {  	[tilespmem:s15], [sflag:$0x1] =	stream.indirect.gather [hbm4b:s2+s13], $0x40, s30, s13, $0xb8;
	[tilespmem:$0x1BE00] =	vst v63  }
0x70: {  	_ =	swait.ge [sflag:s21], $0x2000  }
0x71: {  	[sflag:s21] =	ssyncset.done $0x0  }
0x72: {  	s23 =	sadd.s32 $0x100, s23;
	s28 =	sadd.s32 $0x100, s28;
	[sflag:s21] =	ssyncadd.s32 $0xFFFFE000  }
.LBB2_5:
0x73: {  	[tilespmem:s17], [sflag:$0x2] =	stream.indirect.gather [hbm4b:s2+s13], $0x40, s29, s13, $0xb8;
	[tilespmem:$0x1BE00] =	vst v63  }
0x74: {  	_ =	swait.ge [sflag:s18], $0x2000  }
0x75: {  	[sflag:s18] =	ssyncset.done $0x0  }
0x76: {  	s25 =	sadd.s32 $0x80, s25;
	[sflag:s18] =	ssyncadd.s32 $0xFFFFE000  }
0x77: {  	[spmem:s3] =	stream.indirect.scatter.add.f32 [tilespmem:s15], [sflag:$0x3], $0x40, s25, s13, $0xb8;
	[tilespmem:$0x1BE00] =	vst v63  }
0x78: {  	_ =	swait.ge [sflag:s19], $0x2000  }
0x79: {  	[sflag:s19] =	ssyncset.done $0x0  }
0x7a: {  	[sflag:s19] =	ssyncadd.s32 $0xFFFFE000  }
0x7b: {  	[spmem:s3] =	stream.indirect.scatter.add.f32 [tilespmem:s17], [sflag:$0x4], $0x40, s28, s13, $0xb8;
	[tilespmem:$0x1BE00] =	vst v63  }
0x7c: {  	p0 =	slt.u32 s24, s6;
	_ =	swait.ge [sflag:s20], $0x2000  }
0x7d: {  	s24 =	sadd.s32 @p0 $0x80, s26;
	[sflag:s20] =	ssyncset.done $0x0  }
0x7e: {  	s26 =	simm.s32 @p0 $0xDE00;
	s25 =	simm.s32 @p0 $0x80;
	[sflag:s20] =	ssyncadd.s32 $0xFFFFE000  }
0x7f: {  	[tilespmem:s26], [sflag:$0x1] =	stream.indirect.gather @p0 [hbm4b:s2+s25], $0x40, s24, s25, $0xb8;
	[tilespmem:$0x1BE00] =	vst v63  }
0x80: {  	s24 =	simm.s32 @p0 $0x4  }
0x81: {  	_ =	swait.ge @p0 [sflag:s24], $0x2000  }
0x82: {  	[sflag:s24] =	ssyncset.done @p0 $0x0  }
0x83: {  	[sflag:s24] =	ssyncadd.s32 @p0 $0xFFFFE000;
	s24 =	simm.s32 @p0 $0xFE00  }
0x84: {  	[tilespmem:s24], [sflag:$0x2] =	stream.indirect.gather @p0 [hbm4b:s2+s25], $0x40, s23, s25, $0xb8;
	[tilespmem:$0x1BE00] =	vst v63  }
0x85: {  	s23 =	simm.s32 @!p0 $0x4  }
0x86: {  	_ =	swait.ge @!p0 [sflag:s23], $0x2000  }
0x87: {  	s22 =	sadd.s32 $0x1, s22;
	[sflag:s23] =	ssyncset.done @!p0 $0x0  }
0x88: {  	[sflag:s23] =	ssyncadd.s32 @!p0 $0xFFFFE000;
	p0 =	sne.s32 s22, s10  }
.Ltmp3:
0x89: {  	[bflag:$0x0] =	sbarrier.arrive $0xFFFF;
	(pc) =	sbr.rel @p0 .LBB2_1-.Ltmp3, $4  }
0x8a: {  	[hbm:s9], [sflag:s7] =	dma.local [spmem:s11], $0x1400  }
0x8b: {  	_ =	swait.ge [sflag:s12], $0x1400  }
0x8c: {  	[sflag:s12] =	ssyncset.done $0x0  }
0x8d: {  	[sflag:s12] =	ssyncadd.s32 $0xFFFFEC00  }
0x8e: {  	_ =	sfence.sel $0x180000  }
0x8f: {  	[bflag:$0x0] =	sbarrier.arrive $0xFFFF  }
0x90: {  	p0 =	sne.s32 s1, $0x0;
	_ =	strace $0x9000004A  }
0x91: {  	s0 =	sadd.s32 @!p0 $0x100000, s0;
	[bflag:$0x2] =	sbarrier.arrive $0xFFFF  }
0x92: {  	[sflag:s0] =	ssyncadd.tile.s32 @!p0 $0x1;
	_ =	shalt  }
.Lfunc_end2:
_tile_overlayer_lowered:
.L_overlay_start_2:
0x93: {  	(tag) =	ssettag $0x2  }
0x94: {  	s0 =	rddreg [dreg:$0x0];
	s2 =	stileid.u32  }
0x95: {  	s1 =	rddreg [dreg:$0x1];
	p0 =	sne.s32 s2, $0x0  }
0x96: {  	s3 =	rddreg [dreg:$0x2];
	[bflag:$0x3] =	sbarrier.arrive $0xFFFF;
	s2 =	simm.s32 @!p0 $0x1C05  }
0x97: {  	[timem:s3], [sflag:s2] =	dma.local @!p0 [hbm:s0], s1  }
0x98: {  	s0 =	simm.s32 @!p0 $0x5  }
0x99: {  	_ =	swait.ge @!p0 [sflag:s0], s1  }
0x9a: {  	s1 =	ssub.s32 @!p0 $0x0, s1;
	[sflag:s0] =	ssyncset.done @!p0 $0x0  }
0x9b: {  	[sflag:s0] =	ssyncadd.s32 @!p0 s1  }
0x9c: {  	[bflag:$0x3] =	sbarrier.arrive $0xFFFF  }
0x9d: {  	_ =	shalt  }

// kernel: kernel.14.cloned.1.call-start
scs
__scs_entry_jumppad:
0x0: {  	(pc) =	sbr.rel $0x88, $3  }
0x1: {  	(tag) =	ssettag $0x0;
	lr =	simm.s32 $0x1  }
0x2: {  	[smem:$0x3F9B] =	sst lr;
	_ =	strace $0xD0000000  }
0x3: {  	_ = 	snop  }
0x4: {  	_ = 	snop  }
0x5: {  	_ = 	snop  }
0x6: {  	_ = 	snop  }
0x7: {  	_ = 	snop  }
__scs_overlays_trampoline_lowered:
0x8: {  	[smem:$0x3FAA] =	sst s0  }
0x9: {  	[smem:$0x3FAB] =	sst s1  }
0xa: {  	[smem:$0x3FAC] =	sst s2  }
0xb: {  	[smem:$0x3FAD] =	sst s3  }
0xc: {  	[smem:$0x3FAE] =	sst s4  }
0xd: {  	[smem:$0x3FAF] =	sst s5  }
0xe: {  	[smem:$0x3FB0] =	sst s6  }
0xf: {  	[smem:$0x3FB1] =	sst s7  }
0x10: {  	[smem:$0x3FB2] =	sst s8  }
0x11: {  	[smem:$0x3FB3] =	sst s9;
	s0 =	simm.s32 @!p0 $0x0  }
0x12: {  	s1 =	sld [smem:$0x3F99];
	s0 =	simm.s32 @p0 $0x1  }
0x13: {  	[smem:$0x3FB4] =	sst s0;
	s0 =	simm.s32 @!p1 $0x0  }
0x14: {  	s2 =	sld [smem:$0x3F98];
	s0 =	simm.s32 @p1 $0x1  }
0x15: {  	[smem:$0x3FB5] =	sst s0;
	s0 =	simm.s32 @!p2 $0x0  }
0x16: {  	s3 =	sld [smem:$0x3FDB];
	s0 =	simm.s32 @p2 $0x1  }
0x17: {  	s4 =	simm.s32 $0x1BF5;
	[smem:$0x3FB7] =	sst s0  }
0x18: {  	s0 =	sld [smem:$0x3F9A];
	_ =	swait.ge [sflag:s4], $0x0  }
0x19: {  	s7 =	sld [smem:$0x3F9B]  }
0x1a: {  	s8 =	sadd.s32 $0xFFFFE003, lr  }
0x1b: {  	s9 =	sadd.s32 $0xFFFFFEF7, lr;
	s5 =	simm.s32 $0xFFFFFFFF;
	p2 =	slt.u32 s8, $0xFFFFF086  }
0x1c: {  	p1 =	slt.u32 s9, $0xF7A;
	s5 =	simm.s32 @!p2 $0x0  }
0x1d: {  	s5 =	simm.s32 @p1 $0x1;
	p0 =	seq.s32 s7, s2  }
0x1e: {  	s7 =	smul.u32 @!p0 $0xF7A, s2;
	p2 =	seq.s32 @!p0 s5, $0x0  }
0x1f: {  	s9 =	smul.u32 $0xF7A, s1;
	s8 =	simm.s32 @!p0 $0x1BF5;
	p2 =	por !p2, p0  }
0x20: {  	[sflag:s8] =	ssyncset.s32 @!p0 $0xFFFFF086;
	s6 =	sadd.s32 @!p0 s3, s7;
	s7 =	simm.s32 @!p0 $0x108  }
0x21: {  	s3 =	sadd.s32 s3, s9;
	s6 =	sadd.s32 @!p0 $0x88, s6;
	s7 =	simm.s32 @p2 $0x1082  }
0x22: {  	[simem:s7], [sflag:s8] =	dma.local @!p0 [hbm:s6], $0xF7A  }
0x23: {  	s9 =	sor.u32 $0xD0000000, s2;
	s6 =	simm.s32 $0x108;
	_ =	swait.ge @!p0 [sflag:s8], $0x0  }
0x24: {  	s3 =	sadd.s32 $0x88, s3;
	s6 =	simm.s32 @!p1 $0x1082;
	[sflag:s4] =	ssyncset.s32 $0xFFFFF086  }
0x25: {  	[simem:s6], [sflag:s4] =	dma.local [hbm:s3], $0xF7A  }
0x26: {  	[smem:$0x3F9B] =	sst s1;
	(tag) =	ssettag s2;
	_ =	strace s9  }
0x27: {  	s1 =	sld [smem:$0x3FAB]  }
0x28: {  	s2 =	sld [smem:$0x3FAC]  }
0x29: {  	s4 =	sld [smem:$0x3FAE]  }
0x2a: {  	p0 =	seq.s32 s5, $0x0;
	s5 =	sld [smem:$0x3FAF]  }
0x2b: {  	s6 =	sld [smem:$0x3FB0]  }
0x2c: {  	s7 =	sld [smem:$0x3FB1]  }
0x2d: {  	s3 =	simm.s32 $0x108;
	s8 =	sld [smem:$0x3FB2]  }
0x2e: {  	s3 =	simm.s32 @!p0 $0x1082;
	s9 =	sld [smem:$0x3FB3]  }
0x2f: {  	lr =	sadd.s32 s0, s3;
	s0 =	sld [smem:$0x3FAA]  }
0x30: {  	s3 =	sld [smem:$0x3FAD]  }
0x31: {  	[smem:$0x3FB6] =	sst s10  }
0x32: {  	s10 =	sld [smem:$0x3FB4];
	_ =	sdelay $0x3  }
0x33: {  	p0 =	seq.s32 s10, $0x1;
	s10 =	sld [smem:$0x3FB6];
	_ =	sdelay $0x3  }
0x34: {  	[smem:$0x3FB6] =	sst s10  }
0x35: {  	s10 =	sld [smem:$0x3FB5];
	_ =	sdelay $0x3  }
0x36: {  	p1 =	seq.s32 s10, $0x1;
	s10 =	sld [smem:$0x3FB6];
	_ =	sdelay $0x3  }
0x37: {  	[smem:$0x3FB6] =	sst s10  }
0x38: {  	s10 =	sld [smem:$0x3FB7]  }
0x39: {  	_ = 	snop;
	(pc) =	sbr.ind lr, $3  }
0x3a: {  	_ = 	snop  }
0x3b: {  	_ = 	snop  }
0x3c: {  	p2 =	seq.s32 s10, $0x1;
	s10 =	sld [smem:$0x3FB6]  }
0x3d: {  	_ =	shalt  }
0x3e: {  	_ =	shalt  }
0x3f: {  	_ =	shalt  }
0x40: {  	_ =	shalt  }
0x41: {  	_ =	shalt  }
0x42: {  	_ =	shalt  }
0x43: {  	_ =	shalt  }
0x44: {  	_ =	shalt  }
0x45: {  	_ =	shalt  }
0x46: {  	_ =	shalt  }
0x47: {  	_ =	shalt  }
0x48: {  	_ =	shalt  }
0x49: {  	_ =	shalt  }
0x4a: {  	_ =	shalt  }
0x4b: {  	_ =	shalt  }
0x4c: {  	_ =	shalt  }
0x4d: {  	_ =	shalt  }
0x4e: {  	_ =	shalt  }
0x4f: {  	_ =	shalt  }
0x50: {  	_ =	shalt  }
0x51: {  	_ =	shalt  }
0x52: {  	_ =	shalt  }
0x53: {  	_ =	shalt  }
0x54: {  	_ =	shalt  }
0x55: {  	_ =	shalt  }
0x56: {  	_ =	shalt  }
0x57: {  	_ =	shalt  }
0x58: {  	_ =	shalt  }
0x59: {  	_ =	shalt  }
0x5a: {  	_ =	shalt  }
0x5b: {  	_ =	shalt  }
0x5c: {  	_ =	shalt  }
0x5d: {  	_ =	shalt  }
0x5e: {  	_ =	shalt  }
0x5f: {  	_ =	shalt  }
0x60: {  	_ =	shalt  }
0x61: {  	_ =	shalt  }
0x62: {  	_ =	shalt  }
0x63: {  	_ =	shalt  }
0x64: {  	_ =	shalt  }
0x65: {  	_ =	shalt  }
0x66: {  	_ =	shalt  }
0x67: {  	_ =	shalt  }
0x68: {  	_ =	shalt  }
0x69: {  	_ =	shalt  }
0x6a: {  	_ =	shalt  }
0x6b: {  	_ =	shalt  }
0x6c: {  	_ =	shalt  }
0x6d: {  	_ =	shalt  }
0x6e: {  	_ =	shalt  }
0x6f: {  	_ =	shalt  }
0x70: {  	_ =	shalt  }
0x71: {  	_ =	shalt  }
0x72: {  	_ =	shalt  }
0x73: {  	_ =	shalt  }
0x74: {  	_ =	shalt  }
0x75: {  	_ =	shalt  }
0x76: {  	_ =	shalt  }
0x77: {  	_ =	shalt  }
0x78: {  	_ =	shalt  }
0x79: {  	_ =	shalt  }
0x7a: {  	_ =	shalt  }
0x7b: {  	_ =	shalt  }
0x7c: {  	_ =	shalt  }
0x7d: {  	_ =	shalt  }
0x7e: {  	_ =	shalt  }
0x7f: {  	_ =	shalt  }
0x80: {  	_ =	shalt  }
0x81: {  	_ =	shalt  }
0x82: {  	_ =	shalt  }
0x83: {  	_ =	shalt  }
0x84: {  	_ =	shalt  }
0x85: {  	_ =	shalt  }
0x86: {  	_ =	shalt  }
0x87: {  	_ =	shalt  }
.Lfunc_end0:
.L_simem_size_0:
called_computation.2_lowered:
.L_overlay_start_0:
0x88: {  	s2 =	sld [smem:$0x3FD9]  }
0x89: {  	s3 =	sld [smem:$0x3FFE];
	_ =	sdelay $0x1  }
0x8a: {  	s1 =	srdreg.scid  }
0x8b: {  	s0 =	sand.u32 $0x1, s1  }
0x8c: {  	s17 =	sshll.u32 s0, $0xA;
	s2 =	sadd.s32 s3, s2  }
0x8d: {  	s2 =	sadd.s32 s2, s17  }
0x8e: {  	[smem:$0x3FC2] =	sst s2  }
0x8f: {  	_ = 	snop  }
0x90: {  	s2 =	sld [smem:$0x3FD0];
	(tm) =	ssettm $0x1  }
0x91: {  	s18 =	sld [smem:$0x3FFB];
	_ =	sdelay $0x3  }
0x92: {  	_ =	strace s18  }
0x93: {  	s3 =	sld [smem:$0x3FFC];
	_ =	sdelay $0x3  }
0x94: {  	_ =	strace s3  }
0x95: {  	s3 =	sld [smem:$0x3FFD];
	_ =	sdelay $0x3  }
0x96: {  	_ =	strace s3  }
0x97: {  	_ =	strace $0x8FFFFFFF  }
0x98: {  	s19 =	sld [smem:$0x3FDB];
	_ =	sdelay $0x1  }
0x99: {  	s4 =	simm.s32 $_scs_section_size  }
0x9a: {  	s5 =	simm.s32 $_size__tile_overlayer_lowered;
	s6 =	simm.s32 $_tile_overlayer_lowered  }
0x9b: {  	s22 =	simm.s32 $0x1BFF;
	s21 =	sshll.u32 s6, $0x1;
	s3 =	sadd.s32 s4, s19  }
0x9c: {  	s7 =	simm.s32 $0x0;
	s20 =	sshll.u32 s5, $0x1;
	s5 =	sadd.s32 s21, s3  }
0x9d: {  	[timem:s7], [sflag:s22] =	dma.local [hbm:s5], s20  }
0x9e: {  	_ =	swait.ge [sflag:s22], s20  }
0x9f: {  	s4 =	ssub.s32 $0x0, s20;
	[sflag:s22] =	ssyncset.done $0x0  }
0xa0: {  	[sflag:s22] =	ssyncadd.s32 s4;
	_ =	sdelay $0x1  }
0xa1: {  	s23 =	simm.s32 $0x1B8B  }
0xa2: {  	_ =	swait.ge [sflag:s23], $0x1  }
0xa3: {  	[sflag:s23] =	ssyncset.done $0x0  }
0xa4: {  	s25 =	simm.s32 $0x1B8E;
	s24 =	sld [smem:$0x3FFE];
	[sflag:s23] =	ssyncadd.s32 $0xFFFFFFFF  }
0xa5: {  	s26 =	simm.s32 $execute0_lowered;
	[smem:$0x3FD2] =	sst s25  }
0xa6: {  	s5 =	sshll.u32 s26, $0x1;
	_ =	strace $0x8000004C;
	[dreg:$0x1] =	wrdreg $0xFFFFFFFF  }
0xa7: {  	s28 =	simm.s32 $_size_execute0_lowered;
	s3 =	sadd.s32 s3, s5;
	[dreg:$0x0] =	wrdreg $0x0  }
0xa8: {  	s5 =	sshll.u32 s28, $0x1;
	[dreg:$0x2] =	wrdreg s3  }
0xa9: {  	[dreg:$0x3] =	wrdreg s5  }
0xaa: {  	[dreg:$0x4] =	wrdreg $0xC0  }
0xab: {  	_ =	task [dreg:s7], $0x5FFFF  }
0xac: {  	[dreg:$0x1] =	wrdreg $0xFFFFFFFF  }
0xad: {  	[dreg:$0x0] =	wrdreg $0x60  }
0xae: {  	[dreg:$0x2] =	wrdreg s2  }
0xaf: {  	[dreg:$0x3] =	wrdreg s24  }
0xb0: {  	[dreg:$0x4] =	wrdreg $0x11E000  }
0xb1: {  	[dreg:$0x5] =	wrdreg $0x9  }
0xb2: {  	_ =	task.clear_ibuf [dreg:s7], $0x6FFFF;
	_ =	strace $0x9000004C  }
0xb3: {  	s29 =	simm.s32 $0x9;
	_ =	strace $0x8000004E  }
0xb4: {  	_ =	swait.ge [sflag:s29], $0x1  }
0xb5: {  	[sflag:s29] =	ssyncadd.s32 $0xFFFFFFFF  }
0xb6: {  	_ =	strace $0x9000004E  }
0xb7: {  	_ =	sfence  }
0xb8: {  	s30 =	sld [smem:$0x0];
	_ =	sdelay $0x2  }
0xb9: {  	s31 =	sshll.u32 s1, $0xD;
	s1 =	sshrl.u32 s1, $0x2  }
0xba: {  	s3 =	sand.u32 $0x4000, s31;
	s1 =	sadd.s32 s1, s30  }
0xbb: {  	s0 =	sor.u32 s3, s0;
	s1 =	sshll.u32 s1, $0x11  }
0xbc: {  	s0 =	sor.u32 s1, s0  }
0xbd: {  	s0 =	sadd.s32 $0x8F2B, s0  }
0xbe: {  	[sflag:s0] =	ssyncadd.remote.s32 $0x1  }
0xbf: {  	_ =	sfence.sel $0xFFFF  }
0xc0: {  	[dreg:$0x0] =	wrdreg $0xFFFFFFFF;
	(pc) =	sbr.abs _section_cstart, $3  }
0xc1: {  	[dreg:$0x1] =	wrdreg $0xFFFFFFFF  }
0xc2: {  	_ =	task.clear_ibuf [dreg:s7], $0x2FFFF;
	_ =	strace $0x9FFFFFFF  }
0xc3: {  	(tm) =	ssettm $0x7FFFFFFF  }
tec
execute0_lowered:
.L_overlay_start_1:
0x0: {  	(tag) =	ssettag $0x1  }
0x1: {  	s2 =	rddreg [dreg:$0x0]  }
0x2: {  	s6 =	rddreg [dreg:$0x1]  }
0x3: {  	s3 =	rddreg [dreg:$0x2];
	s1 =	stileid.u32  }
0x4: {  	s0 =	rddreg [dreg:$0x3];
	s7 =	srdreg.scid;
	s4 =	simm.s32 $0x0  }
0x5: {  	s14 =	simm.s32 $0x4A00;
	s15 =	simm.s32 $0xDE00;
	s16 =	simm.s32 $0x4A80  }
0x6: {  	s17 =	simm.s32 $0xFE00;
	s18 =	simm.s32 $0x1;
	s19 =	simm.s32 $0x2  }
0x7: {  	s20 =	simm.s32 $0x3;
	s21 =	simm.s32 $0x4;
	s5 =	smul.u32 $0x94, s1  }
0x8: {  	s22 =	simm.s32 $0x0;
	s8 =	smul.u32 $0xC, s1;
	s7 =	sand.u32 $0x1, s7  }
0x9: {  	s9 =	smul.u32 $0xA000, s1;
	[smem:$0x7FF] =	sst s4;
	s31 =	sshll.u32 s1, $0x6  }
0xa: {  	p0 =	seq.s32 s7, $0x0;
	s10 =	smul.u32 $0xA0000, s7;
	s7 =	ssub.s32 $0x2, s7  }
0xb: {  	_ =	strace $0x8000004D;
	s8 =	sadd.s32 $0x940, s8;
	s30 =	sshrl.u32 s7, $0x1  }
0xc: {  	s13 =	sadd.s32 s9, s3;
	s8 =	smov.u32 @p0 s5;
	s28 =	sadd.s32 s9, s10  }
0xd: {  	s12 =	ssub.s32 s7, s30;
	s7 =	sor.u32 $0x1C05, s31;
	s5 =	sshll.u32 s8, $0x4  }
0xe: {  	s8 =	sshrl.u32 s28, $0x3;
	s10 =	smax.u32 s12, $0x1;
	s29 =	sadd.s32 s5, s6  }
0xf: {  	s5 =	sadd.s32 $0xC400, s6;
	s11 =	sadd.s32 s8, s6;
	s6 =	simm.s32 $0x49  }
0x10: {  	s12 =	simm.s32 $0x5;
	s6 =	simm.s32 @!p0 $0x5;
	s8 =	sadd.s32 $0x1A00, s29  }
0x11: {  	s9 =	sadd.s32 $0xD800, s11;
	s11 =	sshrl.u32 s13, $0x3;
	s13 =	simm.s32 $0x80  }
.LBB2_1:
0x12: {  	[spmem:s11], [sflag:s7] =	dma.local [hbm:s5], $0x1400  }
0x13: {  	_ =	swait.ge [sflag:s12], $0x1400  }
0x14: {  	[sflag:s12] =	ssyncset.done $0x0  }
0x15: {  	[sflag:s12] =	ssyncadd.s32 $0xFFFFEC00  }
0x16: {  	[tilespmem:s4], [sflag:$0x5] =	stream.linear.gather [hbm4b:s8+s4], $0x4A00, $0x38;
	[tilespmem:$0x1BE00] =	vst v63  }
0x17: {  	_ =	swait.ge [sflag:s12], $0x4A00  }
0x18: {  	[sflag:s12] =	ssyncset.done $0x0  }
0x19: {  	s23 =	simm.s32 $0x0;
	[sflag:s12] =	ssyncadd.s32 $0xFFFFB600  }
0x1a: {  	v0 =	vld [tilespmem:s23+$0x70]  }
0x1b: {  	v1 =	vld [tilespmem:s23+$0x0];
	_ =	sdelay $0x1  }
0x1c: {  	v2 =	vld [tilespmem:s23+$0x10]  }
0x1d: {  	v5 =	vld [tilespmem:s23+$0x40]  }
0x1e: {  	v6 =	vshrl.u32 v0, $0x10  }
0x1f: {  	v3 =	vld [tilespmem:s23+$0x20];
	v8 =	vand.u32 $0xFFFF, v1;
	[tilespmem:s23+$0x9470] =	vst v6  }
0x20: {  	v1 =	vshrl.u32 v1, $0x10;
	[tilespmem:s23+$0x4A00] =	vst v8  }
0x21: {  	v4 =	vld [tilespmem:s23+$0x30];
	v62 =	vand.u32 $0xFFFF, v2;
	[tilespmem:s23+$0x9400] =	vst v1  }
0x22: {  	v7 =	vld [tilespmem:s23+$0x50];
	v63 =	vand.u32 $0xFFFF, v5;
	[tilespmem:s23+$0x4A10] =	vst v62  }
0x23: {  	v6 =	vld [tilespmem:s23+$0x60];
	v1 =	vshrl.u32 v2, $0x10;
	[tilespmem:s23+$0x4A40] =	vst v63  }
0x24: {  	v2 =	vand.u32 $0xFFFF, v3;
	[tilespmem:s23+$0x9410] =	vst v1  }
0x25: {  	v1 =	vshrl.u32 v3, $0x10;
	[tilespmem:s23+$0x4A20] =	vst v2  }
0x26: {  	v0 =	vand.u32 $0xFFFF, v0;
	v2 =	vand.u32 $0xFFFF, v4;
	[tilespmem:s23+$0x9420] =	vst v1  }
0x27: {  	v5 =	vshrl.u32 v5, $0x10;
	v3 =	vshrl.u32 v7, $0x10;
	v1 =	vshrl.u32 v4, $0x10;
	[tilespmem:s23+$0x4A30] =	vst v2  }
0x28: {  	s24 =	simm.s32 $0x80;
	s25 =	simm.s32 $0x400;
	v4 =	vand.u32 $0xFFFF, v7;
	[tilespmem:s23+$0x9430] =	vst v1;
	v2 =	vand.u32 $0xFFFF, v6;
	v1 =	vshrl.u32 v6, $0x10  }
.LBB2_2:
0x29: {  	p0 =	sne.s32 s25, $0x12600;
	v6 =	vld [tilespmem:s24+$0x70];
	[tilespmem:s23+$0x9440] =	vst v5  }
0x2a: {  	v5 =	vld [tilespmem:s24+$0x0];
	[tilespmem:s23+$0x4A50] =	vst v4  }
0x2b: {  	v4 =	vld [tilespmem:s24+$0x10];
	[tilespmem:s23+$0x9450] =	vst v3  }
0x2c: {  	v3 =	vld [tilespmem:s24+$0x20];
	[tilespmem:s23+$0x4A60] =	vst v2  }
0x2d: {  	v2 =	vld [tilespmem:s24+$0x30];
	[tilespmem:s23+$0x9460] =	vst v1  }
0x2e: {  	v1 =	vld [tilespmem:s24+$0x40];
	v7 =	vshrl.u32 v6, $0x10;
	[tilespmem:s23+$0x4A70] =	vst v0;
	v0 =	vand.u32 $0xFFFF, v6;
	s23 =	smov.u32 s24  }
0x2f: {  	v6 =	vand.u32 $0xFFFF, v5;
	v5 =	vshrl.u32 v5, $0x10;
	v8 =	vld [tilespmem:s23+$0x50];
	[tilespmem:s23+$0x9470] =	vst v7  }
0x30: {  	[tilespmem:s23+$0x4A00] =	vst v6;
	v6 =	vand.u32 $0xFFFF, v4;
	v4 =	vshrl.u32 v4, $0x10;
	v7 =	vld [tilespmem:s23+$0x60]  }
0x31: {  	[tilespmem:s23+$0x9400] =	vst v5;
	v9 =	vand.u32 $0xFFFF, v3;
	v10 =	vshrl.u32 v3, $0x10  }
0x32: {  	[tilespmem:s23+$0x4A10] =	vst v6;
	v6 =	vand.u32 $0xFFFF, v2;
	v11 =	vshrl.u32 v2, $0x10  }
0x33: {  	[tilespmem:s23+$0x9410] =	vst v4;
	v12 =	vand.u32 $0xFFFF, v1;
	v5 =	vshrl.u32 v1, $0x10  }
.Ltmp0:
0x34: {  	[tilespmem:s23+$0x4A20] =	vst v9;
	v4 =	vand.u32 $0xFFFF, v8;
	v3 =	vshrl.u32 v8, $0x10;
	(pc) =	sbr.rel @p0 .LBB2_2-.Ltmp0, $4  }
0x35: {  	[tilespmem:s23+$0x9420] =	vst v10;
	v2 =	vand.u32 $0xFFFF, v7;
	v1 =	vshrl.u32 v7, $0x10  }
0x36: {  	[tilespmem:s23+$0x4A30] =	vst v6  }
0x37: {  	[tilespmem:s23+$0x9430] =	vst v11  }
0x38: {  	s24 =	sshra.s32 s25, $0x2;
	s25 =	sadd.s32 $0x200, s25;
	[tilespmem:s23+$0x4A40] =	vst v12  }
0x39: {  	v6 =	vld [tilespmem:s24+$0x70];
	[tilespmem:s23+$0x9440] =	vst v5  }
0x3a: {  	v5 =	vld [tilespmem:s24+$0x0];
	[tilespmem:s23+$0x4A50] =	vst v4  }
0x3b: {  	v4 =	vld [tilespmem:s24+$0x10];
	[tilespmem:s23+$0x9450] =	vst v3  }
0x3c: {  	v3 =	vld [tilespmem:s24+$0x20];
	[tilespmem:s23+$0x4A60] =	vst v2  }
0x3d: {  	v2 =	vld [tilespmem:s24+$0x30];
	[tilespmem:s23+$0x9460] =	vst v1  }
0x3e: {  	v1 =	vld [tilespmem:s24+$0x40];
	[tilespmem:s23+$0x4A70] =	vst v0;
	v48 =	vshrl.u32 v6, $0x10  }
0x3f: {  	v63 =	vand.u32 $0xFFFF, v6;
	[tilespmem:s24+$0x9470] =	vst v48  }
0x40: {  	v8 =	vand.u32 $0xFFFF, v5;
	[tilespmem:s24+$0x4A70] =	vst v63  }
0x41: {  	v49 =	vshrl.u32 v5, $0x10;
	[tilespmem:s24+$0x4A00] =	vst v8  }
0x42: {  	v51 =	vand.u32 $0xFFFF, v4;
	[tilespmem:s24+$0x9400] =	vst v49  }
0x43: {  	v52 =	vshrl.u32 v4, $0x10;
	[tilespmem:s24+$0x4A10] =	vst v51  }
0x44: {  	v53 =	vand.u32 $0xFFFF, v3;
	[tilespmem:s24+$0x9410] =	vst v52  }
0x45: {  	v7 =	vld [tilespmem:s24+$0x50];
	v54 =	vshrl.u32 v3, $0x10;
	[tilespmem:s24+$0x4A20] =	vst v53  }
0x46: {  	v55 =	vand.u32 $0xFFFF, v2;
	[tilespmem:s24+$0x9420] =	vst v54  }
0x47: {  	v50 =	vld [tilespmem:s24+$0x60];
	v56 =	vshrl.u32 v2, $0x10;
	[tilespmem:s24+$0x4A30] =	vst v55  }
0x48: {  	v57 =	vand.u32 $0xFFFF, v1;
	[tilespmem:s24+$0x9430] =	vst v56  }
0x49: {  	v58 =	vshrl.u32 v1, $0x10;
	[tilespmem:s24+$0x4A40] =	vst v57  }
0x4a: {  	v59 =	vand.u32 $0xFFFF, v7;
	[tilespmem:s24+$0x9440] =	vst v58  }
0x4b: {  	v60 =	vshrl.u32 v7, $0x10;
	[tilespmem:s24+$0x4A50] =	vst v59  }
0x4c: {  	v61 =	vand.u32 $0xFFFF, v50;
	[tilespmem:s24+$0x9450] =	vst v60  }
0x4d: {  	v62 =	vshrl.u32 v50, $0x10;
	[tilespmem:s24+$0x4A60] =	vst v61  }
0x4e: {  	[tilespmem:s24+$0x9460] =	vst v62  }
0x4f: {  	[bflag:$0x0] =	sbarrier.arrive $0xFFFF  }
0x50: {  	[tilespmem:s15], [sflag:$0x1] =	stream.indirect.gather [hbm4b:s2+s13], $0x40, s14, s13, $0xb8;
	[tilespmem:$0x1BE00] =	vst v63  }
0x51: {  	_ = 	snop  }
0x52: {  	[tilespmem:s17], [sflag:$0x2] =	stream.indirect.gather [hbm4b:s2+s13], $0x40, s16, s13, $0xb8;
	[tilespmem:$0x1BE00] =	vst v63  }
0x53: {  	_ =	swait.ge [sflag:s18], $0x2000  }
0x54: {  	[sflag:s18] =	ssyncset.done $0x0  }
0x55: {  	s30 =	simm.s32 $0x9400;
	[sflag:s18] =	ssyncadd.s32 $0xFFFFE000  }
0x56: {  	[spmem:s3] =	stream.indirect.scatter.add.f32 [tilespmem:s15], [sflag:$0x3], $0x40, s30, s13, $0xb8;
	[tilespmem:$0x1BE00] =	vst v63  }
0x57: {  	_ =	swait.ge [sflag:s19], $0x2000  }
0x58: {  	[sflag:s19] =	ssyncset.done $0x0  }
0x59: {  	s25 =	simm.s32 $0x9480;
	[sflag:s19] =	ssyncadd.s32 $0xFFFFE000  }
0x5a: {  	[spmem:s3] =	stream.indirect.scatter.add.f32 [tilespmem:s17], [sflag:$0x4], $0x40, s25, s13, $0xb8;
	[tilespmem:$0x1BE00] =	vst v63  }
0x5b: {  	_ =	swait.ge [sflag:s20], $0x2000  }
0x5c: {  	p0 =	sne.s32 s6, $0x1;
	[sflag:s20] =	ssyncset.done $0x0  }
.Ltmp1:
0x5d: {  	s31 =	simm.s32 $0x4B00;
	[sflag:s20] =	ssyncadd.s32 $0xFFFFE000;
	(pc) =	sbr.rel @!p0 .LBB2_5-.Ltmp1, $4  }
0x5e: {  	[tilespmem:s15], [sflag:$0x1] =	stream.indirect.gather [hbm4b:s2+s13], $0x40, s31, s13, $0xb8;
	[tilespmem:$0x1BE00] =	vst v63  }
0x5f: {  	s29 =	simm.s32 $0x4B80;
	_ =	swait.ge [sflag:s21], $0x2000  }
0x60: {  	s28 =	simm.s32 $0x9580;
	s26 =	simm.s32 $0x4B80;
	[sflag:s21] =	ssyncset.done $0x0  }
0x61: {  	s23 =	simm.s32 $0x4C80;
	s24 =	simm.s32 $0x1;
	[sflag:s21] =	ssyncadd.s32 $0xFFFFE000  }
.LBB2_4:
0x62: {  	s26 =	smov.u32 s23;
	s25 =	smov.u32 s28  }
0x63: {  	[tilespmem:s17], [sflag:$0x2] =	stream.indirect.gather [hbm4b:s2+s13], $0x40, s29, s13, $0xb8;
	[tilespmem:$0x1BE00] =	vst v63  }
0x64: {  	s24 =	sadd.s32 $0x1, s24;
	s29 =	smov.u32 s23;
	_ =	swait.ge [sflag:s18], $0x2000  }
0x65: {  	p0 =	sne.s32 s6, s24;
	[sflag:s18] =	ssyncset.done $0x0  }
0x66: {  	s30 =	sadd.s32 $0xFFFFFF80, s28;
	[sflag:s18] =	ssyncadd.s32 $0xFFFFE000  }
0x67: {  	[spmem:s3] =	stream.indirect.scatter.add.f32 [tilespmem:s15], [sflag:$0x3], $0x40, s30, s13, $0xb8;
	[tilespmem:$0x1BE00] =	vst v63  }
0x68: {  	_ =	swait.ge [sflag:s19], $0x2000  }
0x69: {  	[sflag:s19] =	ssyncset.done $0x0  }
0x6a: {  	[sflag:s19] =	ssyncadd.s32 $0xFFFFE000  }
0x6b: {  	[spmem:s3] =	stream.indirect.scatter.add.f32 [tilespmem:s17], [sflag:$0x4], $0x40, s28, s13, $0xb8;
	[tilespmem:$0x1BE00] =	vst v63  }
0x6c: {  	_ =	swait.ge [sflag:s20], $0x2000  }
0x6d: {  	[sflag:s20] =	ssyncset.done $0x0  }
.Ltmp2:
0x6e: {  	s30 =	sadd.s32 $0xFFFFFF80, s23;
	[sflag:s20] =	ssyncadd.s32 $0xFFFFE000;
	(pc) =	sbr.rel @p0 .LBB2_4-.Ltmp2, $4  }
0x6f: {  	[tilespmem:s15], [sflag:$0x1] =	stream.indirect.gather [hbm4b:s2+s13], $0x40, s30, s13, $0xb8;
	[tilespmem:$0x1BE00] =	vst v63  }
0x70: {  	_ =	swait.ge [sflag:s21], $0x2000  }
0x71: {  	[sflag:s21] =	ssyncset.done $0x0  }
0x72: {  	s23 =	sadd.s32 $0x100, s23;
	s28 =	sadd.s32 $0x100, s28;
	[sflag:s21] =	ssyncadd.s32 $0xFFFFE000  }
.LBB2_5:
0x73: {  	[tilespmem:s17], [sflag:$0x2] =	stream.indirect.gather [hbm4b:s2+s13], $0x40, s29, s13, $0xb8;
	[tilespmem:$0x1BE00] =	vst v63  }
0x74: {  	_ =	swait.ge [sflag:s18], $0x2000  }
0x75: {  	[sflag:s18] =	ssyncset.done $0x0  }
0x76: {  	s25 =	sadd.s32 $0x80, s25;
	[sflag:s18] =	ssyncadd.s32 $0xFFFFE000  }
0x77: {  	[spmem:s3] =	stream.indirect.scatter.add.f32 [tilespmem:s15], [sflag:$0x3], $0x40, s25, s13, $0xb8;
	[tilespmem:$0x1BE00] =	vst v63  }
0x78: {  	_ =	swait.ge [sflag:s19], $0x2000  }
0x79: {  	[sflag:s19] =	ssyncset.done $0x0  }
0x7a: {  	[sflag:s19] =	ssyncadd.s32 $0xFFFFE000  }
0x7b: {  	[spmem:s3] =	stream.indirect.scatter.add.f32 [tilespmem:s17], [sflag:$0x4], $0x40, s28, s13, $0xb8;
	[tilespmem:$0x1BE00] =	vst v63  }
0x7c: {  	p0 =	slt.u32 s24, s6;
	_ =	swait.ge [sflag:s20], $0x2000  }
0x7d: {  	s24 =	sadd.s32 @p0 $0x80, s26;
	[sflag:s20] =	ssyncset.done $0x0  }
0x7e: {  	s26 =	simm.s32 @p0 $0xDE00;
	s25 =	simm.s32 @p0 $0x80;
	[sflag:s20] =	ssyncadd.s32 $0xFFFFE000  }
0x7f: {  	[tilespmem:s26], [sflag:$0x1] =	stream.indirect.gather @p0 [hbm4b:s2+s25], $0x40, s24, s25, $0xb8;
	[tilespmem:$0x1BE00] =	vst v63  }
0x80: {  	s24 =	simm.s32 @p0 $0x4  }
0x81: {  	_ =	swait.ge @p0 [sflag:s24], $0x2000  }
0x82: {  	[sflag:s24] =	ssyncset.done @p0 $0x0  }
0x83: {  	[sflag:s24] =	ssyncadd.s32 @p0 $0xFFFFE000;
	s24 =	simm.s32 @p0 $0xFE00  }
0x84: {  	[tilespmem:s24], [sflag:$0x2] =	stream.indirect.gather @p0 [hbm4b:s2+s25], $0x40, s23, s25, $0xb8;
	[tilespmem:$0x1BE00] =	vst v63  }
0x85: {  	s23 =	simm.s32 @!p0 $0x4  }
0x86: {  	_ =	swait.ge @!p0 [sflag:s23], $0x2000  }
0x87: {  	s22 =	sadd.s32 $0x1, s22;
	[sflag:s23] =	ssyncset.done @!p0 $0x0  }
0x88: {  	[sflag:s23] =	ssyncadd.s32 @!p0 $0xFFFFE000;
	p0 =	sne.s32 s22, s10  }
.Ltmp3:
0x89: {  	[bflag:$0x0] =	sbarrier.arrive $0xFFFF;
	(pc) =	sbr.rel @p0 .LBB2_1-.Ltmp3, $4  }
0x8a: {  	[hbm:s9], [sflag:s7] =	dma.local [spmem:s11], $0x1400  }
0x8b: {  	_ =	swait.ge [sflag:s12], $0x1400  }
0x8c: {  	[sflag:s12] =	ssyncset.done $0x0  }
0x8d: {  	[sflag:s12] =	ssyncadd.s32 $0xFFFFEC00  }
0x8e: {  	_ =	sfence.sel $0x180000  }
0x8f: {  	[bflag:$0x0] =	sbarrier.arrive $0xFFFF  }
0x90: {  	p0 =	sne.s32 s1, $0x0;
	_ =	strace $0x9000004D  }
0x91: {  	s0 =	sadd.s32 @!p0 $0x100000, s0;
	[bflag:$0x2] =	sbarrier.arrive $0xFFFF  }
0x92: {  	[sflag:s0] =	ssyncadd.tile.s32 @!p0 $0x1;
	_ =	shalt  }
.Lfunc_end2:
_tile_overlayer_lowered:
.L_overlay_start_2:
0x93: {  	(tag) =	ssettag $0x2  }
0x94: {  	s0 =	rddreg [dreg:$0x0];
	s2 =	stileid.u32  }
0x95: {  	s1 =	rddreg [dreg:$0x1];
	p0 =	sne.s32 s2, $0x0  }
0x96: {  	s3 =	rddreg [dreg:$0x2];
	[bflag:$0x3] =	sbarrier.arrive $0xFFFF;
	s2 =	simm.s32 @!p0 $0x1C05  }
0x97: {  	[timem:s3], [sflag:s2] =	dma.local @!p0 [hbm:s0], s1  }
0x98: {  	s0 =	simm.s32 @!p0 $0x5  }
0x99: {  	_ =	swait.ge @!p0 [sflag:s0], s1  }
0x9a: {  	s1 =	ssub.s32 @!p0 $0x0, s1;
	[sflag:s0] =	ssyncset.done @!p0 $0x0  }
0x9b: {  	[sflag:s0] =	ssyncadd.s32 @!p0 s1  }
0x9c: {  	[bflag:$0x3] =	sbarrier.arrive $0xFFFF  }
0x9d: {  	_ =	shalt  }

// kernel: kernel.8.cloned.1.call-start
scs
__scs_entry_jumppad:
0x0: {  	(pc) =	sbr.rel $0x88, $3  }
0x1: {  	(tag) =	ssettag $0x0;
	lr =	simm.s32 $0x1  }
0x2: {  	[smem:$0x3F9B] =	sst lr;
	_ =	strace $0xD0000000  }
0x3: {  	_ = 	snop  }
0x4: {  	_ = 	snop  }
0x5: {  	_ = 	snop  }
0x6: {  	_ = 	snop  }
0x7: {  	_ = 	snop  }
__scs_overlays_trampoline_lowered:
0x8: {  	[smem:$0x3FAA] =	sst s0  }
0x9: {  	[smem:$0x3FAB] =	sst s1  }
0xa: {  	[smem:$0x3FAC] =	sst s2  }
0xb: {  	[smem:$0x3FAD] =	sst s3  }
0xc: {  	[smem:$0x3FAE] =	sst s4  }
0xd: {  	[smem:$0x3FAF] =	sst s5  }
0xe: {  	[smem:$0x3FB0] =	sst s6  }
0xf: {  	[smem:$0x3FB1] =	sst s7  }
0x10: {  	[smem:$0x3FB2] =	sst s8  }
0x11: {  	[smem:$0x3FB3] =	sst s9;
	s0 =	simm.s32 @!p0 $0x0  }
0x12: {  	s1 =	sld [smem:$0x3F99];
	s0 =	simm.s32 @p0 $0x1  }
0x13: {  	[smem:$0x3FB4] =	sst s0;
	s0 =	simm.s32 @!p1 $0x0  }
0x14: {  	s2 =	sld [smem:$0x3F98];
	s0 =	simm.s32 @p1 $0x1  }
0x15: {  	[smem:$0x3FB5] =	sst s0;
	s0 =	simm.s32 @!p2 $0x0  }
0x16: {  	s3 =	sld [smem:$0x3FDB];
	s0 =	simm.s32 @p2 $0x1  }
0x17: {  	s4 =	simm.s32 $0x1BF5;
	[smem:$0x3FB7] =	sst s0  }
0x18: {  	s0 =	sld [smem:$0x3F9A];
	_ =	swait.ge [sflag:s4], $0x0  }
0x19: {  	s7 =	sld [smem:$0x3F9B]  }
0x1a: {  	s8 =	sadd.s32 $0xFFFFE003, lr  }
0x1b: {  	s9 =	sadd.s32 $0xFFFFFEF7, lr;
	s5 =	simm.s32 $0xFFFFFFFF;
	p2 =	slt.u32 s8, $0xFFFFF086  }
0x1c: {  	p1 =	slt.u32 s9, $0xF7A;
	s5 =	simm.s32 @!p2 $0x0  }
0x1d: {  	s5 =	simm.s32 @p1 $0x1;
	p0 =	seq.s32 s7, s2  }
0x1e: {  	s7 =	smul.u32 @!p0 $0xF7A, s2;
	p2 =	seq.s32 @!p0 s5, $0x0  }
0x1f: {  	s9 =	smul.u32 $0xF7A, s1;
	s8 =	simm.s32 @!p0 $0x1BF5;
	p2 =	por !p2, p0  }
0x20: {  	[sflag:s8] =	ssyncset.s32 @!p0 $0xFFFFF086;
	s6 =	sadd.s32 @!p0 s3, s7;
	s7 =	simm.s32 @!p0 $0x108  }
0x21: {  	s3 =	sadd.s32 s3, s9;
	s6 =	sadd.s32 @!p0 $0x88, s6;
	s7 =	simm.s32 @p2 $0x1082  }
0x22: {  	[simem:s7], [sflag:s8] =	dma.local @!p0 [hbm:s6], $0xF7A  }
0x23: {  	s9 =	sor.u32 $0xD0000000, s2;
	s6 =	simm.s32 $0x108;
	_ =	swait.ge @!p0 [sflag:s8], $0x0  }
0x24: {  	s3 =	sadd.s32 $0x88, s3;
	s6 =	simm.s32 @!p1 $0x1082;
	[sflag:s4] =	ssyncset.s32 $0xFFFFF086  }
0x25: {  	[simem:s6], [sflag:s4] =	dma.local [hbm:s3], $0xF7A  }
0x26: {  	[smem:$0x3F9B] =	sst s1;
	(tag) =	ssettag s2;
	_ =	strace s9  }
0x27: {  	s1 =	sld [smem:$0x3FAB]  }
0x28: {  	s2 =	sld [smem:$0x3FAC]  }
0x29: {  	s4 =	sld [smem:$0x3FAE]  }
0x2a: {  	p0 =	seq.s32 s5, $0x0;
	s5 =	sld [smem:$0x3FAF]  }
0x2b: {  	s6 =	sld [smem:$0x3FB0]  }
0x2c: {  	s7 =	sld [smem:$0x3FB1]  }
0x2d: {  	s3 =	simm.s32 $0x108;
	s8 =	sld [smem:$0x3FB2]  }
0x2e: {  	s3 =	simm.s32 @!p0 $0x1082;
	s9 =	sld [smem:$0x3FB3]  }
0x2f: {  	lr =	sadd.s32 s0, s3;
	s0 =	sld [smem:$0x3FAA]  }
0x30: {  	s3 =	sld [smem:$0x3FAD]  }
0x31: {  	[smem:$0x3FB6] =	sst s10  }
0x32: {  	s10 =	sld [smem:$0x3FB4];
	_ =	sdelay $0x3  }
0x33: {  	p0 =	seq.s32 s10, $0x1;
	s10 =	sld [smem:$0x3FB6];
	_ =	sdelay $0x3  }
0x34: {  	[smem:$0x3FB6] =	sst s10  }
0x35: {  	s10 =	sld [smem:$0x3FB5];
	_ =	sdelay $0x3  }
0x36: {  	p1 =	seq.s32 s10, $0x1;
	s10 =	sld [smem:$0x3FB6];
	_ =	sdelay $0x3  }
0x37: {  	[smem:$0x3FB6] =	sst s10  }
0x38: {  	s10 =	sld [smem:$0x3FB7]  }
0x39: {  	_ = 	snop;
	(pc) =	sbr.ind lr, $3  }
0x3a: {  	_ = 	snop  }
0x3b: {  	_ = 	snop  }
0x3c: {  	p2 =	seq.s32 s10, $0x1;
	s10 =	sld [smem:$0x3FB6]  }
0x3d: {  	_ =	shalt  }
0x3e: {  	_ =	shalt  }
0x3f: {  	_ =	shalt  }
0x40: {  	_ =	shalt  }
0x41: {  	_ =	shalt  }
0x42: {  	_ =	shalt  }
0x43: {  	_ =	shalt  }
0x44: {  	_ =	shalt  }
0x45: {  	_ =	shalt  }
0x46: {  	_ =	shalt  }
0x47: {  	_ =	shalt  }
0x48: {  	_ =	shalt  }
0x49: {  	_ =	shalt  }
0x4a: {  	_ =	shalt  }
0x4b: {  	_ =	shalt  }
0x4c: {  	_ =	shalt  }
0x4d: {  	_ =	shalt  }
0x4e: {  	_ =	shalt  }
0x4f: {  	_ =	shalt  }
0x50: {  	_ =	shalt  }
0x51: {  	_ =	shalt  }
0x52: {  	_ =	shalt  }
0x53: {  	_ =	shalt  }
0x54: {  	_ =	shalt  }
0x55: {  	_ =	shalt  }
0x56: {  	_ =	shalt  }
0x57: {  	_ =	shalt  }
0x58: {  	_ =	shalt  }
0x59: {  	_ =	shalt  }
0x5a: {  	_ =	shalt  }
0x5b: {  	_ =	shalt  }
0x5c: {  	_ =	shalt  }
0x5d: {  	_ =	shalt  }
0x5e: {  	_ =	shalt  }
0x5f: {  	_ =	shalt  }
0x60: {  	_ =	shalt  }
0x61: {  	_ =	shalt  }
0x62: {  	_ =	shalt  }
0x63: {  	_ =	shalt  }
0x64: {  	_ =	shalt  }
0x65: {  	_ =	shalt  }
0x66: {  	_ =	shalt  }
0x67: {  	_ =	shalt  }
0x68: {  	_ =	shalt  }
0x69: {  	_ =	shalt  }
0x6a: {  	_ =	shalt  }
0x6b: {  	_ =	shalt  }
0x6c: {  	_ =	shalt  }
0x6d: {  	_ =	shalt  }
0x6e: {  	_ =	shalt  }
0x6f: {  	_ =	shalt  }
0x70: {  	_ =	shalt  }
0x71: {  	_ =	shalt  }
0x72: {  	_ =	shalt  }
0x73: {  	_ =	shalt  }
0x74: {  	_ =	shalt  }
0x75: {  	_ =	shalt  }
0x76: {  	_ =	shalt  }
0x77: {  	_ =	shalt  }
0x78: {  	_ =	shalt  }
0x79: {  	_ =	shalt  }
0x7a: {  	_ =	shalt  }
0x7b: {  	_ =	shalt  }
0x7c: {  	_ =	shalt  }
0x7d: {  	_ =	shalt  }
0x7e: {  	_ =	shalt  }
0x7f: {  	_ =	shalt  }
0x80: {  	_ =	shalt  }
0x81: {  	_ =	shalt  }
0x82: {  	_ =	shalt  }
0x83: {  	_ =	shalt  }
0x84: {  	_ =	shalt  }
0x85: {  	_ =	shalt  }
0x86: {  	_ =	shalt  }
0x87: {  	_ =	shalt  }
.Lfunc_end0:
.L_simem_size_0:
called_computation_lowered:
.L_overlay_start_0:
0x88: {  	s2 =	sld [smem:$0x3FD9]  }
0x89: {  	s3 =	sld [smem:$0x3FFE];
	_ =	sdelay $0x1  }
0x8a: {  	s1 =	srdreg.scid  }
0x8b: {  	s0 =	sand.u32 $0x1, s1  }
0x8c: {  	s17 =	sshll.u32 s0, $0xA;
	s2 =	sadd.s32 s3, s2  }
0x8d: {  	s2 =	sadd.s32 s2, s17  }
0x8e: {  	[smem:$0x3FC2] =	sst s2  }
0x8f: {  	_ = 	snop  }
0x90: {  	s2 =	sld [smem:$0x3FD0];
	(tm) =	ssettm $0x1  }
0x91: {  	s18 =	sld [smem:$0x3FFB];
	_ =	sdelay $0x3  }
0x92: {  	_ =	strace s18  }
0x93: {  	s3 =	sld [smem:$0x3FFC];
	_ =	sdelay $0x3  }
0x94: {  	_ =	strace s3  }
0x95: {  	s3 =	sld [smem:$0x3FFD];
	_ =	sdelay $0x3  }
0x96: {  	_ =	strace s3  }
0x97: {  	_ =	strace $0x8FFFFFFF  }
0x98: {  	s19 =	sld [smem:$0x3FDB];
	_ =	sdelay $0x1  }
0x99: {  	s4 =	simm.s32 $_scs_section_size  }
0x9a: {  	s5 =	simm.s32 $_size__tile_overlayer_lowered;
	s6 =	simm.s32 $_tile_overlayer_lowered  }
0x9b: {  	s22 =	simm.s32 $0x1BFF;
	s21 =	sshll.u32 s6, $0x1;
	s3 =	sadd.s32 s4, s19  }
0x9c: {  	s7 =	simm.s32 $0x0;
	s20 =	sshll.u32 s5, $0x1;
	s5 =	sadd.s32 s21, s3  }
0x9d: {  	[timem:s7], [sflag:s22] =	dma.local [hbm:s5], s20  }
0x9e: {  	_ =	swait.ge [sflag:s22], s20  }
0x9f: {  	s4 =	ssub.s32 $0x0, s20;
	[sflag:s22] =	ssyncset.done $0x0  }
0xa0: {  	[sflag:s22] =	ssyncadd.s32 s4;
	_ =	sdelay $0x1  }
0xa1: {  	s23 =	simm.s32 $0x1B8B  }
0xa2: {  	_ =	swait.ge [sflag:s23], $0x1  }
0xa3: {  	[sflag:s23] =	ssyncset.done $0x0  }
0xa4: {  	s25 =	simm.s32 $0x1B8E;
	s24 =	sld [smem:$0x3FFE];
	[sflag:s23] =	ssyncadd.s32 $0xFFFFFFFF  }
0xa5: {  	s26 =	simm.s32 $execute0_lowered;
	[smem:$0x3FD2] =	sst s25  }
0xa6: {  	s5 =	sshll.u32 s26, $0x1;
	_ =	strace $0x80000046;
	[dreg:$0x1] =	wrdreg $0xFFFFFFFF  }
0xa7: {  	s28 =	simm.s32 $_size_execute0_lowered;
	s3 =	sadd.s32 s3, s5;
	[dreg:$0x0] =	wrdreg $0x0  }
0xa8: {  	s5 =	sshll.u32 s28, $0x1;
	[dreg:$0x2] =	wrdreg s3  }
0xa9: {  	[dreg:$0x3] =	wrdreg s5  }
0xaa: {  	[dreg:$0x4] =	wrdreg $0xC0  }
0xab: {  	_ =	task [dreg:s7], $0x5FFFF  }
0xac: {  	[dreg:$0x1] =	wrdreg $0xFFFFFFFF  }
0xad: {  	[dreg:$0x0] =	wrdreg $0x60  }
0xae: {  	[dreg:$0x2] =	wrdreg s2  }
0xaf: {  	[dreg:$0x3] =	wrdreg s24  }
0xb0: {  	[dreg:$0x4] =	wrdreg $0x28800  }
0xb1: {  	[dreg:$0x5] =	wrdreg $0x9  }
0xb2: {  	_ =	task.clear_ibuf [dreg:s7], $0x6FFFF;
	_ =	strace $0x90000046  }
0xb3: {  	s29 =	simm.s32 $0x9;
	_ =	strace $0x80000048  }
0xb4: {  	_ =	swait.ge [sflag:s29], $0x1  }
0xb5: {  	[sflag:s29] =	ssyncadd.s32 $0xFFFFFFFF  }
0xb6: {  	_ =	strace $0x90000048  }
0xb7: {  	_ =	sfence  }
0xb8: {  	s30 =	sld [smem:$0x0];
	_ =	sdelay $0x2  }
0xb9: {  	s31 =	sshll.u32 s1, $0xD;
	s1 =	sshrl.u32 s1, $0x2  }
0xba: {  	s3 =	sand.u32 $0x4000, s31;
	s1 =	sadd.s32 s1, s30  }
0xbb: {  	s0 =	sor.u32 s3, s0;
	s1 =	sshll.u32 s1, $0x11  }
0xbc: {  	s0 =	sor.u32 s1, s0  }
0xbd: {  	s0 =	sadd.s32 $0x8F2B, s0  }
0xbe: {  	[sflag:s0] =	ssyncadd.remote.s32 $0x1  }
0xbf: {  	_ =	sfence.sel $0xFFFF  }
0xc0: {  	[dreg:$0x0] =	wrdreg $0xFFFFFFFF;
	(pc) =	sbr.abs _section_cstart, $3  }
0xc1: {  	[dreg:$0x1] =	wrdreg $0xFFFFFFFF  }
0xc2: {  	_ =	task.clear_ibuf [dreg:s7], $0x2FFFF;
	_ =	strace $0x9FFFFFFF  }
0xc3: {  	(tm) =	ssettm $0x7FFFFFFF  }
tec
execute0_lowered:
.L_overlay_start_1:
0x0: {  	(tag) =	ssettag $0x1  }
0x1: {  	s6 =	rddreg [dreg:$0x0]  }
0x2: {  	s5 =	rddreg [dreg:$0x1]  }
0x3: {  	s2 =	rddreg [dreg:$0x2]  }
0x4: {  	s0 =	rddreg [dreg:$0x3]  }
0x5: {  	s4 =	srdreg.scid;
	s1 =	stileid.u32;
	s3 =	simm.s32 $0x0  }
0x6: {  	s12 =	simm.s32 $0x2800;
	s13 =	simm.s32 $0x20;
	s14 =	simm.s32 $0x10  }
0x7: {  	s15 =	simm.s32 $0x0;
	s7 =	sand.u32 $0x1, s4;
	s26 =	smul.u32 $0x500, s1  }
0x8: {  	[smem:$0x7FF] =	sst s3;
	s4 =	sadd.s32 $0xE00, s5;
	s9 =	sshll.u32 s1, $0x1  }
0x9: {  	s11 =	smul.u32 $0xA00, s1;
	s31 =	sshll.u32 s1, $0x6;
	s8 =	sshll.u32 s7, $0x7  }
0xa: {  	_ =	strace $0x80000047;
	s10 =	ssub.s32 $0x2, s7;
	s7 =	sor.u32 s7, s9  }
0xb: {  	s8 =	sor.u32 s8, s26;
	s28 =	sshrl.u32 s10, $0x1;
	s7 =	smul.u32 $0x500, s7  }
0xc: {  	s30 =	sshrl.u32 s11, $0x2;
	s8 =	sshrl.u32 s8, $0x3;
	s29 =	ssub.s32 s10, s28  }
0xd: {  	s11 =	sadd.s32 s30, s2;
	s10 =	simm.s32 $0x1;
	s8 =	sadd.s32 s8, s5  }
0xe: {  	s5 =	sor.u32 $0x1C01, s31;
	s6 =	sadd.s32 s6, s7;
	s9 =	sshrl.u32 s11, $0x3  }
0xf: {  	v0 =	vimm.f32 $1.000000000e+00;
	s11 =	simm.s32 $0x80;
	s7 =	sadd.s32 $0x1000, s8;
	s8 =	smax.u32 s29, $0x1  }
.LBB2_1:
0x10: {  	[spmem:s9], [sflag:s5] =	dma.local [hbm:s4], $0x50  }
0x11: {  	_ =	swait.ge [sflag:s10], $0x50  }
0x12: {  	[sflag:s10] =	ssyncset.done $0x0  }
0x13: {  	[sflag:s10] =	ssyncadd.s32 $0xFFFFFFB0  }
0x14: {  	[tilespmem:$0x2800] =	vst v0  }
0x15: {  	[tilespmem:$0x2810] =	vst v0  }
0x16: {  	[tilespmem:$0x2820] =	vst v0  }
0x17: {  	[tilespmem:$0x2830] =	vst v0  }
0x18: {  	[tilespmem:$0x2840] =	vst v0  }
0x19: {  	[tilespmem:$0x2850] =	vst v0  }
0x1a: {  	[tilespmem:$0x2860] =	vst v0  }
0x1b: {  	[tilespmem:$0x2870] =	vst v0  }
0x1c: {  	[tilespmem:s3], [sflag:$0x1] =	stream.linear.gather [hbm4b:s6+s3], $0x2800, $0x38;
	[tilespmem:$0x2B00] =	vst v63  }
0x1d: {  	_ =	swait.ge [sflag:s10], $0x2800  }
0x1e: {  	[sflag:s10] =	ssyncset.done $0x0  }
0x1f: {  	[sflag:s10] =	ssyncadd.s32 $0xFFFFD800  }
0x20: {  	s16 =	simm.s32 $0x0;
	[bflag:$0x0] =	sbarrier.arrive $0xFFFF  }
0x21: {  	[spmem:s2] =	stream.indirect.scatter.add.f32 [tilespmem:s12], [sflag:$0x1], $0x1, s16, s11, $0xb8;
	[tilespmem:$0x2B00] =	vst v63  }
0x22: {  	_ =	swait.ge [sflag:s10], $0x80  }
0x23: {  	s16 =	simm.s32 $0x200;
	[sflag:s10] =	ssyncset.done $0x0  }
.LBB2_2:
0x24: {  	s17 =	sshra.s32 s16, $0x2;
	[sflag:s10] =	ssyncadd.s32 $0xFFFFFF80;
	p0 =	sne.s32 s16, $0x9E00  }
0x25: {  	[spmem:s2] =	stream.indirect.scatter.add.f32 [tilespmem:s12], [sflag:$0x1], $0x1, s17, s11, $0xb8;
	[tilespmem:$0x2B00] =	vst v63  }
.Ltmp0:
0x26: {  	_ = 	snop;
	(pc) =	sbr.rel @p0 .LBB2_2-.Ltmp0, $4  }
0x27: {  	_ = 	snop  }
0x28: {  	s16 =	sadd.s32 $0x200, s16  }
0x29: {  	_ =	swait.ge [sflag:s10], $0x80  }
0x2a: {  	[sflag:s10] =	ssyncset.done $0x0  }
0x2b: {  	s15 =	sadd.s32 $0x1, s15  }
0x2c: {  	[sflag:s10] =	ssyncadd.s32 $0xFFFFFF80;
	p0 =	sne.s32 s15, s8  }
.Ltmp1:
0x2d: {  	[bflag:$0x0] =	sbarrier.arrive $0xFFFF;
	(pc) =	sbr.rel @p0 .LBB2_1-.Ltmp1, $4  }
0x2e: {  	[hbm:s7@s13], [sflag:s5] =	dma.strided [spmem:s9@s14], $0x50, s10, $0x10   }
0x2f: {  	_ =	swait.ge [sflag:s10], $0x50  }
0x30: {  	[sflag:s10] =	ssyncset.done $0x0  }
0x31: {  	[sflag:s10] =	ssyncadd.s32 $0xFFFFFFB0  }
0x32: {  	_ =	sfence.sel $0x180000  }
0x33: {  	[bflag:$0x0] =	sbarrier.arrive $0xFFFF  }
0x34: {  	p0 =	sne.s32 s1, $0x0;
	_ =	strace $0x90000047  }
0x35: {  	s0 =	sadd.s32 @!p0 $0x100000, s0;
	[bflag:$0x2] =	sbarrier.arrive $0xFFFF  }
0x36: {  	[sflag:s0] =	ssyncadd.tile.s32 @!p0 $0x1;
	_ =	shalt  }
.Lfunc_end2:
_tile_overlayer_lowered:
.L_overlay_start_2:
0x37: {  	(tag) =	ssettag $0x2  }
0x38: {  	s0 =	rddreg [dreg:$0x0];
	s2 =	stileid.u32  }
0x39: {  	s1 =	rddreg [dreg:$0x1];
	p0 =	sne.s32 s2, $0x0  }
0x3a: {  	s3 =	rddreg [dreg:$0x2];
	[bflag:$0x3] =	sbarrier.arrive $0xFFFF;
	s2 =	simm.s32 @!p0 $0x1C01  }
0x3b: {  	[timem:s3], [sflag:s2] =	dma.local @!p0 [hbm:s0], s1  }
0x3c: {  	s0 =	simm.s32 @!p0 $0x1  }
0x3d: {  	_ =	swait.ge @!p0 [sflag:s0], s1  }
0x3e: {  	s1 =	ssub.s32 @!p0 $0x0, s1;
	[sflag:s0] =	ssyncset.done @!p0 $0x0  }
0x3f: {  	[sflag:s0] =	ssyncadd.s32 @!p0 s1  }
0x40: {  	[bflag:$0x3] =	sbarrier.arrive $0xFFFF  }
0x41: {  	_ =	shalt  }

</sc_bundles>
